<compile_context>
chip_gen: v7x
topology: tpu7x:2x2x1
jax: 0.10.2.dev20260603
libtpu: 0.0.44.dev20260713+nightly
codegen_flags: <defaults>
</compile_context>

<pallas_src>
import functools

import jax
import jax.numpy as jnp
from jax import lax
from jax.experimental import pallas as pl
from jax.experimental.pallas import tpu as pltpu
from jax.experimental.pallas import tpu_sc as plsc

N = 10000
D = 128
NP = 10240
E = 320000
CHUNK = 128
NCHUNK = 79
EPT = NCHUNK * CHUNK
EPAD = 32 * EPT
ROWS_PER_SUBCORE = NP // 16
BR = 512
NB = NP // BR


def _mesh():
    return plsc.VectorSubcoreMesh(core_axis_name="c", subcore_axis_name="s")


def _sc_deg_body(dst_hbm, ones_hbm, zeros_hbm, out_hbm, idxd_v, ones_v, deg_sh):
    c = lax.axis_index("c")
    s = lax.axis_index("s")
    wid = s * 2 + c
    pltpu.sync_copy(zeros_hbm.at[pl.ds(s * ROWS_PER_SUBCORE, ROWS_PER_SUBCORE)],
                    deg_sh.at[pl.ds(s * ROWS_PER_SUBCORE, ROWS_PER_SUBCORE)])
    pltpu.sync_copy(ones_hbm, ones_v)
    pltpu.sync_copy(dst_hbm.at[wid], idxd_v)
    plsc.subcore_barrier()

    def body(i, carry):
        pltpu.sync_copy(ones_v, deg_sh.at[idxd_v.at[i]], add=True)
        return carry

    lax.fori_loop(0, NCHUNK, body, 0)
    plsc.subcore_barrier()
    base = c * NP + s * ROWS_PER_SUBCORE
    pltpu.sync_copy(deg_sh.at[pl.ds(s * ROWS_PER_SUBCORE, ROWS_PER_SUBCORE)],
                    out_hbm.at[pl.ds(base, ROWS_PER_SUBCORE)])


def _sc_deg(dst3, ones_d, zerosd):
    k = functools.partial(
        pl.kernel,
        mesh=_mesh(),
        out_type=jax.ShapeDtypeStruct((2 * NP, D), jnp.float32),
        scratch_types=[
            pltpu.VMEM((NCHUNK, CHUNK), jnp.int32),
            pltpu.VMEM((CHUNK, D), jnp.float32),
            pltpu.VMEM_SHARED((NP, D), jnp.float32),
        ],
    )(_sc_deg_body)
    return k(dst3, ones_d, zerosd)


def _sc_msg_body(src3, dst3, h_hbm, zeros_hbm, out_hbm,
                 idxs_v, idxd_v, rows_v, acc_sh, sem):
    c = lax.axis_index("c")
    s = lax.axis_index("s")
    wid = s * 2 + c
    pltpu.sync_copy(zeros_hbm.at[pl.ds(s * ROWS_PER_SUBCORE, ROWS_PER_SUBCORE)],
                    acc_sh.at[pl.ds(s * ROWS_PER_SUBCORE, ROWS_PER_SUBCORE)])
    pltpu.sync_copy(src3.at[wid], idxs_v)
    pltpu.sync_copy(dst3.at[wid], idxd_v)
    plsc.subcore_barrier()

    def body(i, carry):
        pltpu.async_copy(h_hbm.at[idxs_v.at[i]], rows_v, sem).wait()
        pltpu.sync_copy(rows_v, acc_sh.at[idxd_v.at[i]], add=True)
        return carry

    lax.fori_loop(0, NCHUNK, body, 0)
    plsc.subcore_barrier()
    base = c * NP + s * ROWS_PER_SUBCORE
    pltpu.sync_copy(acc_sh.at[pl.ds(s * ROWS_PER_SUBCORE, ROWS_PER_SUBCORE)],
                    out_hbm.at[pl.ds(base, ROWS_PER_SUBCORE)])


def _sc_msg(src3, dst3, hp, zerosd):
    k = functools.partial(
        pl.kernel,
        mesh=_mesh(),
        out_type=jax.ShapeDtypeStruct((2 * NP, D), jnp.float32),
        scratch_types=[
            pltpu.VMEM((NCHUNK, CHUNK), jnp.int32),
            pltpu.VMEM((NCHUNK, CHUNK), jnp.int32),
            pltpu.VMEM((CHUNK, D), jnp.float32),
            pltpu.VMEM_SHARED((NP, D), jnp.float32),
            pltpu.SemaphoreType.DMA,
        ],
    )(_sc_msg_body)
    return k(src3, dst3, hp, zerosd)


def _tc1_body(deg_ref, x_ref, w_ref, h_ref, dis_ref):
    dg = deg_ref[...]
    degsum = dg[0, :, 0:1] + dg[1, :, 0:1] + 1.0
    disb = lax.rsqrt(degsum)
    h = jnp.dot(x_ref[...], w_ref[...], preferred_element_type=jnp.float32)
    h_ref[...] = h * disb
    dis_ref[...] = disb


def _tc1(deg2, xp, w1):
    return pl.pallas_call(
        _tc1_body,
        grid=(NB,),
        in_specs=[
            pl.BlockSpec((2, BR, D), lambda i: (0, i, 0)),
            pl.BlockSpec((BR, D), lambda i: (i, 0)),
            pl.BlockSpec((D, D), lambda i: (0, 0)),
        ],
        out_specs=[
            pl.BlockSpec((BR, D), lambda i: (i, 0)),
            pl.BlockSpec((BR, 1), lambda i: (i, 0)),
        ],
        out_shape=[
            jax.ShapeDtypeStruct((NP, D), jnp.float32),
            jax.ShapeDtypeStruct((NP, 1), jnp.float32),
        ],
    )(deg2, xp, w1)


def _tca_body(agg_ref, h_ref, dis_ref, b_ref, t_ref, stats_ref):
    i = pl.program_id(0)
    a = agg_ref[...]
    t = (a[0] + a[1] + h_ref[...]) * dis_ref[...] + b_ref[...]
    row_ids = lax.broadcasted_iota(jnp.int32, (BR, 1), 0) + i * BR
    mask = row_ids < N
    tm = jnp.where(mask, t, 0.0)
    s1 = jnp.sum(tm, axis=0, keepdims=True)
    s2 = jnp.sum(tm * tm, axis=0, keepdims=True)
    t_ref[...] = t

    @pl.when(i == 0)
    def _():
        stats_ref[...] = jnp.zeros((8, D), jnp.float32)

    stats_ref[0:1, :] += s1
    stats_ref[1:2, :] += s2


def _tca(agg, hp, dis, b):
    return pl.pallas_call(
        _tca_body,
        grid=(NB,),
        in_specs=[
            pl.BlockSpec((2, BR, D), lambda i: (0, i, 0)),
            pl.BlockSpec((BR, D), lambda i: (i, 0)),
            pl.BlockSpec((BR, 1), lambda i: (i, 0)),
            pl.BlockSpec((1, D), lambda i: (0, 0)),
        ],
        out_specs=[
            pl.BlockSpec((BR, D), lambda i: (i, 0)),
            pl.BlockSpec((8, D), lambda i: (0, 0)),
        ],
        out_shape=[
            jax.ShapeDtypeStruct((NP, D), jnp.float32),
            jax.ShapeDtypeStruct((8, D), jnp.float32),
        ],
    )(agg, hp, dis, b)


def _tcb_body(t_ref, stats_ref, dis_ref, g_ref, be_ref, w_ref, h_ref):
    st = stats_ref[...]
    mean = st[0:1, :] * (1.0 / N)
    var = st[1:2, :] * (1.0 / N) - mean * mean
    scale = lax.rsqrt(var + 1e-5) * g_ref[...]
    y = jnp.maximum((t_ref[...] - mean) * scale + be_ref[...], 0.0)
    h = jnp.dot(y, w_ref[...], preferred_element_type=jnp.float32)
    h_ref[...] = h * dis_ref[...]


def _tcb(t, stats, dis, g, be, w):
    return pl.pallas_call(
        _tcb_body,
        grid=(NB,),
        in_specs=[
            pl.BlockSpec((BR, D), lambda i: (i, 0)),
            pl.BlockSpec((8, D), lambda i: (0, 0)),
            pl.BlockSpec((BR, 1), lambda i: (i, 0)),
            pl.BlockSpec((1, D), lambda i: (0, 0)),
            pl.BlockSpec((1, D), lambda i: (0, 0)),
            pl.BlockSpec((D, D), lambda i: (0, 0)),
        ],
        out_specs=pl.BlockSpec((BR, D), lambda i: (i, 0)),
        out_shape=jax.ShapeDtypeStruct((NP, D), jnp.float32),
    )(t, stats, dis, g, be, w)


def _tc_final_body(agg_ref, h_ref, dis_ref, b_ref, o_ref):
    a = agg_ref[...]
    o_ref[...] = (a[0] + a[1] + h_ref[...]) * dis_ref[...] + b_ref[...]


def _tc_final(agg, hp, dis, b):
    return pl.pallas_call(
        _tc_final_body,
        grid=(NB,),
        in_specs=[
            pl.BlockSpec((2, BR, D), lambda i: (0, i, 0)),
            pl.BlockSpec((BR, D), lambda i: (i, 0)),
            pl.BlockSpec((BR, 1), lambda i: (i, 0)),
            pl.BlockSpec((1, D), lambda i: (0, 0)),
        ],
        out_specs=pl.BlockSpec((BR, D), lambda i: (i, 0)),
        out_shape=jax.ShapeDtypeStruct((NP, D), jnp.float32),
    )(agg, hp, dis, b)


def kernel(x, edge_index, W1, b1, g1, be1, W2, b2, g2, be2, W3, b3):
    pad = EPAD - E
    src = jnp.concatenate([edge_index[0], jnp.full((pad,), N, jnp.int32)])
    dst = jnp.concatenate([edge_index[1], jnp.full((pad,), N, jnp.int32)])
    src3 = src.reshape(32, NCHUNK, CHUNK)
    dst3 = dst.reshape(32, NCHUNK, CHUNK)
    xp = jnp.zeros((NP, D), jnp.float32).at[:N].set(x)

    ones_d = jnp.ones((CHUNK, D), jnp.float32)
    zerosd = jnp.zeros((NP, D), jnp.float32)
    b1r = b1.reshape(1, D)
    b2r = b2.reshape(1, D)
    b3r = b3.reshape(1, D)
    g1r = g1.reshape(1, D)
    g2r = g2.reshape(1, D)
    be1r = be1.reshape(1, D)
    be2r = be2.reshape(1, D)

    deg2 = _sc_deg(dst3, ones_d, zerosd).reshape(2, NP, D)
    h1p, dis = _tc1(deg2, xp, W1)

    agg1 = _sc_msg(src3, dst3, h1p, zerosd).reshape(2, NP, D)
    t1, st1 = _tca(agg1, h1p, dis, b1r)
    h2p = _tcb(t1, st1, dis, g1r, be1r, W2)

    agg2 = _sc_msg(src3, dst3, h2p, zerosd).reshape(2, NP, D)
    t2, st2 = _tca(agg2, h2p, dis, b2r)
    h3p = _tcb(t2, st2, dis, g2r, be2r, W3)

    agg3 = _sc_msg(src3, dst3, h3p, zerosd).reshape(2, NP, D)
    out = _tc_final(agg3, h3p, dis, b3r)
    return out[:N]

# --- scband reference (transcript-rebuilt; emitter-appended) ---
"""Pipeline reference for scband-gcn-90555090469651 (READ-ONLY COPY).

The authoritative reference and input builder live on the scoring server;
editing this copy changes nothing except your own understanding.
"""

import jax, jax.numpy as jnp
import numpy as np

N = 10000
E = 320000
D = 128


def setup_inputs(seed: int = 0) -> dict:
    key = jax.random.key(seed)
    ks = jax.random.split(key, 16)
    s = 1.0 / np.sqrt(D)
    inp = {
        "x": jax.random.normal(ks[0], (N, D), dtype=jnp.float32),
        "edge_index": jax.random.randint(ks[1], (2, E), 0, N, dtype=jnp.int32),
        "W1": jax.random.normal(ks[2], (D, D), dtype=jnp.float32) * s,
        "b1": jnp.zeros((D,), dtype=jnp.float32),
        "g1": jnp.ones((D,), dtype=jnp.float32),
        "be1": jnp.zeros((D,), dtype=jnp.float32),
        "W2": jax.random.normal(ks[3], (D, D), dtype=jnp.float32) * s,
        "b2": jnp.zeros((D,), dtype=jnp.float32),
        "g2": jnp.ones((D,), dtype=jnp.float32),
        "be2": jnp.zeros((D,), dtype=jnp.float32),
        "W3": jax.random.normal(ks[4], (D, D), dtype=jnp.float32) * s,
        "b3": jnp.zeros((D,), dtype=jnp.float32),
    }
    return inp


def _gcn_norm(edge_index, num_nodes):
    # PyG-style: add self-loops, symmetric normalization D^-1/2 A D^-1/2
    loop = jnp.arange(num_nodes, dtype=edge_index.dtype)
    src = jnp.concatenate([edge_index[0], loop])
    dst = jnp.concatenate([edge_index[1], loop])
    deg = jnp.zeros((num_nodes,), jnp.float32).at[dst].add(1.0)
    dis = jnp.where(deg > 0, jax.lax.rsqrt(jnp.maximum(deg, 1e-12)), 0.0)
    norm = dis[src] * dis[dst]
    return src, dst, norm


def _gcn_conv(x, src, dst, norm, W, b):
    h = x @ W
    msg = h[src] * norm[:, None]
    out = jnp.zeros_like(h).at[dst].add(msg)
    return out + b


def _batch_norm(x, gamma, beta, eps=1e-5):
    mean = jnp.mean(x, axis=0)
    var = jnp.var(x, axis=0)
    return (x - mean) * jax.lax.rsqrt(var + eps) * gamma + beta


def reference(x, edge_index, W1, b1, g1, be1, W2, b2, g2, be2, W3, b3):
    src, dst, norm = _gcn_norm(edge_index, x.shape[0])
    h = _gcn_conv(x, src, dst, norm, W1, b1)
    h = _batch_norm(h, g1, be1)
    h = jax.nn.relu(h)
    h = _gcn_conv(h, src, dst, norm, W2, b2)
    h = _batch_norm(h, g2, be2)
    h = jax.nn.relu(h)
    h = _gcn_conv(h, src, dst, norm, W3, b3)
    return h

if __name__ == "__main__":
    import jax
    _d = setup_inputs()
    print(jax.jit(kernel)(*tuple(_d.values())))

</pallas_src>

<mosaic_0001>
#map = affine_map<(d0, d1) -> (0, 0, 0)>
#map1 = affine_map<(d0, d1) -> (0, 0)>
module attributes {stable_mosaic.version = 14 : i64} {
  func.func @_sc_msg_body(%arg0: i32, %arg1: i32, %arg2: memref<32x79x128xi32, #tpu.memory_space<hbm>>, %arg3: memref<32x79x128xi32, #tpu.memory_space<hbm>>, %arg4: memref<10240x128xf32, #tpu.memory_space<hbm>>, %arg5: memref<10240x128xf32, #tpu.memory_space<hbm>>, %arg6: memref<20480x128xf32, #tpu.memory_space<hbm>>, %arg7: memref<79x128xi32, #tpu.memory_space<vmem>>, %arg8: memref<79x128xi32, #tpu.memory_space<vmem>>, %arg9: memref<128x128xf32, #tpu.memory_space<vmem>>, %arg10: memref<10240x128xf32, #tpu.memory_space<vmem_shared>>, %arg11: memref<!tpu.dma_semaphore, #tpu.memory_space<semaphore_mem>>) attributes {dimension_semantics = [#tpu.dimension_semantics<core_parallel>, #tpu.dimension_semantics<subcore_parallel>], iteration_bounds = array<i64: 2, 16>, scalar_prefetch = 0 : i64, scratch_operands = 5 : i64, tpu.core_type = #tpu.core_type<sc_vector_subcore>, window_params = [{transform_indices = #map}, {transform_indices = #map}, {transform_indices = #map1}, {transform_indices = #map1}, {transform_indices = #map1}]} {
    %mul3A = arith.constant 2 : i32
    %mul3A_0 = arith.muli %arg1, %mul3A : i32
    %add3A = arith.addi %mul3A_0, %arg0 : i32
    %mul3A_1 = arith.constant 640 : i32
    %mul3A_2 = arith.muli %arg1, %mul3A_1 : i32
    %mul3A_3 = arith.constant 640 : i32
    %mul3A_4 = arith.muli %arg1, %mul3A_3 : i32
    "tpu.region"() ({
      %run_scoped3A = tpu.sem_alloc : memref<!tpu.dma_semaphore, #tpu.memory_space<semaphore_mem>>
      %dma_start3A = arith.constant 0 : i32
      %dma_start3A_18 = tpu.memref_slice %arg10[%mul3A_4, %dma_start3A] : memref<10240x128xf32, #tpu.memory_space<vmem_shared>> -> memref<640x128xf32, #tpu.memory_space<vmem_shared>>
      %dma_start3A_19 = arith.constant 0 : i32
      %dma_start3A_20 = tpu.memref_slice %arg5[%mul3A_2, %dma_start3A_19] : memref<10240x128xf32, #tpu.memory_space<hbm>> -> memref<640x128xf32, #tpu.memory_space<hbm>>
      tpu.enqueue_dma source(%dma_start3A_20 : memref<640x128xf32, #tpu.memory_space<hbm>>) target(%dma_start3A_18 : memref<640x128xf32, #tpu.memory_space<vmem_shared>>) target_semaphore(%run_scoped3A : memref<!tpu.dma_semaphore, #tpu.memory_space<semaphore_mem>>)
      %dma_wait3A = arith.constant 0 : i32
      %dma_wait3A_21 = tpu.memref_slice %arg10[%mul3A_4, %dma_wait3A] : memref<10240x128xf32, #tpu.memory_space<vmem_shared>> -> memref<640x128xf32, #tpu.memory_space<vmem_shared>>
      %dma_wait3A_22 = arith.constant 0 : i32
      %dma_wait3A_23 = tpu.memref_slice %arg5[%mul3A_2, %dma_wait3A_22] : memref<10240x128xf32, #tpu.memory_space<hbm>> -> memref<640x128xf32, #tpu.memory_space<hbm>>
      tpu.wait_dma2 semaphore(%run_scoped3A : memref<!tpu.dma_semaphore, #tpu.memory_space<semaphore_mem>>) src(%dma_wait3A_23 : memref<640x128xf32, #tpu.memory_space<hbm>>) dst(%dma_wait3A_21 : memref<640x128xf32, #tpu.memory_space<vmem_shared>>)
      tpu.yield
    }) : () -> ()
    "tpu.region"() ({
      %run_scoped3A = tpu.sem_alloc : memref<!tpu.dma_semaphore, #tpu.memory_space<semaphore_mem>>
      %dma_start3A = arith.constant 0 : i32
      %dma_start3A_18 = arith.constant 0 : i32
      %dma_start3A_19 = tpu.memref_slice %arg2[%add3A, %dma_start3A, %dma_start3A_18] : memref<32x79x128xi32, #tpu.memory_space<hbm>> -> memref<1x79x128xi32, #tpu.memory_space<hbm>>
      %dma_start3A_20 = tpu.memref_squeeze %dma_start3A_19 : memref<1x79x128xi32, #tpu.memory_space<hbm>> -> memref<79x128xi32, #tpu.memory_space<hbm>>
      %dma_start3A_21 = arith.constant 0 : i32
      %dma_start3A_22 = arith.constant 0 : i32
      %dma_start3A_23 = tpu.memref_slice %arg2[%add3A, %dma_start3A_21, %dma_start3A_22] : memref<32x79x128xi32, #tpu.memory_space<hbm>> -> memref<1x79x128xi32, #tpu.memory_space<hbm>>
      %dma_start3A_24 = tpu.memref_squeeze %dma_start3A_23 : memref<1x79x128xi32, #tpu.memory_space<hbm>> -> memref<79x128xi32, #tpu.memory_space<hbm>>
      tpu.enqueue_dma source(%dma_start3A_24 : memref<79x128xi32, #tpu.memory_space<hbm>>) target(%arg7 : memref<79x128xi32, #tpu.memory_space<vmem>>) target_semaphore(%run_scoped3A : memref<!tpu.dma_semaphore, #tpu.memory_space<semaphore_mem>>)
      %dma_wait3A = arith.constant 0 : i32
      %dma_wait3A_25 = arith.constant 0 : i32
      %dma_wait3A_26 = tpu.memref_slice %arg2[%add3A, %dma_wait3A, %dma_wait3A_25] : memref<32x79x128xi32, #tpu.memory_space<hbm>> -> memref<1x79x128xi32, #tpu.memory_space<hbm>>
      %dma_wait3A_27 = tpu.memref_squeeze %dma_wait3A_26 : memref<1x79x128xi32, #tpu.memory_space<hbm>> -> memref<79x128xi32, #tpu.memory_space<hbm>>
      %dma_wait3A_28 = arith.constant 0 : i32
      %dma_wait3A_29 = arith.constant 0 : i32
      %dma_wait3A_30 = tpu.memref_slice %arg2[%add3A, %dma_wait3A_28, %dma_wait3A_29] : memref<32x79x128xi32, #tpu.memory_space<hbm>> -> memref<1x79x128xi32, #tpu.memory_space<hbm>>
      %dma_wait3A_31 = tpu.memref_squeeze %dma_wait3A_30 : memref<1x79x128xi32, #tpu.memory_space<hbm>> -> memref<79x128xi32, #tpu.memory_space<hbm>>
      tpu.wait_dma2 semaphore(%run_scoped3A : memref<!tpu.dma_semaphore, #tpu.memory_space<semaphore_mem>>) src(%dma_wait3A_31 : memref<79x128xi32, #tpu.memory_space<hbm>>) dst(%arg7 : memref<79x128xi32, #tpu.memory_space<vmem>>)
      tpu.yield
    }) : () -> ()
    "tpu.region"() ({
      %run_scoped3A = tpu.sem_alloc : memref<!tpu.dma_semaphore, #tpu.memory_space<semaphore_mem>>
      %dma_start3A = arith.constant 0 : i32
      %dma_start3A_18 = arith.constant 0 : i32
      %dma_start3A_19 = tpu.memref_slice %arg3[%add3A, %dma_start3A, %dma_start3A_18] : memref<32x79x128xi32, #tpu.memory_space<hbm>> -> memref<1x79x128xi32, #tpu.memory_space<hbm>>
      %dma_start3A_20 = tpu.memref_squeeze %dma_start3A_19 : memref<1x79x128xi32, #tpu.memory_space<hbm>> -> memref<79x128xi32, #tpu.memory_space<hbm>>
      %dma_start3A_21 = arith.constant 0 : i32
      %dma_start3A_22 = arith.constant 0 : i32
      %dma_start3A_23 = tpu.memref_slice %arg3[%add3A, %dma_start3A_21, %dma_start3A_22] : memref<32x79x128xi32, #tpu.memory_space<hbm>> -> memref<1x79x128xi32, #tpu.memory_space<hbm>>
      %dma_start3A_24 = tpu.memref_squeeze %dma_start3A_23 : memref<1x79x128xi32, #tpu.memory_space<hbm>> -> memref<79x128xi32, #tpu.memory_space<hbm>>
      tpu.enqueue_dma source(%dma_start3A_24 : memref<79x128xi32, #tpu.memory_space<hbm>>) target(%arg8 : memref<79x128xi32, #tpu.memory_space<vmem>>) target_semaphore(%run_scoped3A : memref<!tpu.dma_semaphore, #tpu.memory_space<semaphore_mem>>)
      %dma_wait3A = arith.constant 0 : i32
      %dma_wait3A_25 = arith.constant 0 : i32
      %dma_wait3A_26 = tpu.memref_slice %arg3[%add3A, %dma_wait3A, %dma_wait3A_25] : memref<32x79x128xi32, #tpu.memory_space<hbm>> -> memref<1x79x128xi32, #tpu.memory_space<hbm>>
      %dma_wait3A_27 = tpu.memref_squeeze %dma_wait3A_26 : memref<1x79x128xi32, #tpu.memory_space<hbm>> -> memref<79x128xi32, #tpu.memory_space<hbm>>
      %dma_wait3A_28 = arith.constant 0 : i32
      %dma_wait3A_29 = arith.constant 0 : i32
      %dma_wait3A_30 = tpu.memref_slice %arg3[%add3A, %dma_wait3A_28, %dma_wait3A_29] : memref<32x79x128xi32, #tpu.memory_space<hbm>> -> memref<1x79x128xi32, #tpu.memory_space<hbm>>
      %dma_wait3A_31 = tpu.memref_squeeze %dma_wait3A_30 : memref<1x79x128xi32, #tpu.memory_space<hbm>> -> memref<79x128xi32, #tpu.memory_space<hbm>>
      tpu.wait_dma2 semaphore(%run_scoped3A : memref<!tpu.dma_semaphore, #tpu.memory_space<semaphore_mem>>) src(%dma_wait3A_31 : memref<79x128xi32, #tpu.memory_space<hbm>>) dst(%arg8 : memref<79x128xi32, #tpu.memory_space<vmem>>)
      tpu.yield
    }) : () -> ()
    %barrier3A = arith.constant 0 : index
    tpu.barrier barrier_id(%barrier3A)
    %scan3A = arith.constant 0 : i32
    %scan3A_5 = arith.constant 0 : i32
    %scan3A_6 = arith.constant 79 : i32
    %scan3A_7 = arith.addi %scan3A_5, %scan3A_6 : i32
    %scan3A_8 = arith.constant 1 : i32
    scf.for %scan3A_18 = %scan3A_5 to %scan3A_7 step %scan3A_8  : i32 {
      %dma_start3A = arith.constant 0 : i32
      %dma_start3A_19 = tpu.memref_slice %arg7[%scan3A_18, %dma_start3A] : memref<79x128xi32, #tpu.memory_space<vmem>> -> memref<1x128xi32, #tpu.memory_space<vmem>>
      %dma_start3A_20 = tpu.memref_squeeze %dma_start3A_19 : memref<1x128xi32, #tpu.memory_space<vmem>> -> memref<128xi32, #tpu.memory_space<vmem>>
      %dma_start3A_21 = arith.constant 0 : i32
      %dma_start3A_22 = arith.constant 0 : i32
      %dma_start3A_23 = tpu.memref_slice %arg4[%dma_start3A_21, %dma_start3A_22] : memref<10240x128xf32, #tpu.memory_space<hbm>> -> memref<10240x128xf32, #tpu.memory_space<hbm>>
      tpu.enqueue_indirect_dma source(%dma_start3A_23 : memref<10240x128xf32, #tpu.memory_space<hbm>>) target(%arg9 : memref<128x128xf32, #tpu.memory_space<vmem>>) offsets(%dma_start3A_20 : memref<128xi32, #tpu.memory_space<vmem>>) semaphore(%arg11 : memref<!tpu.dma_semaphore, #tpu.memory_space<semaphore_mem>>)
      %dma_wait3A = arith.constant 0 : i32
      %dma_wait3A_24 = tpu.memref_slice %arg7[%scan3A_18, %dma_wait3A] : memref<79x128xi32, #tpu.memory_space<vmem>> -> memref<1x128xi32, #tpu.memory_space<vmem>>
      %dma_wait3A_25 = tpu.memref_squeeze %dma_wait3A_24 : memref<1x128xi32, #tpu.memory_space<vmem>> -> memref<128xi32, #tpu.memory_space<vmem>>
      %dma_wait3A_26 = arith.constant 0 : i32
      %dma_wait3A_27 = arith.constant 0 : i32
      %dma_wait3A_28 = tpu.memref_slice %arg4[%dma_wait3A_26, %dma_wait3A_27] : memref<10240x128xf32, #tpu.memory_space<hbm>> -> memref<10240x128xf32, #tpu.memory_space<hbm>>
      tpu.wait_indirect_dma semaphore(%arg11 : memref<!tpu.dma_semaphore, #tpu.memory_space<semaphore_mem>>) src(%dma_wait3A_28 : memref<10240x128xf32, #tpu.memory_space<hbm>>) dst(%arg9 : memref<128x128xf32, #tpu.memory_space<vmem>>)
      "tpu.region"() ({
        %run_scoped3A = tpu.sem_alloc : memref<!tpu.dma_semaphore, #tpu.memory_space<semaphore_mem>>
        %dma_start3A_29 = arith.constant 0 : i32
        %dma_start3A_30 = tpu.memref_slice %arg8[%scan3A_18, %dma_start3A_29] : memref<79x128xi32, #tpu.memory_space<vmem>> -> memref<1x128xi32, #tpu.memory_space<vmem>>
        %dma_start3A_31 = tpu.memref_squeeze %dma_start3A_30 : memref<1x128xi32, #tpu.memory_space<vmem>> -> memref<128xi32, #tpu.memory_space<vmem>>
        %dma_start3A_32 = arith.constant 0 : i32
        %dma_start3A_33 = arith.constant 0 : i32
        %dma_start3A_34 = tpu.memref_slice %arg10[%dma_start3A_32, %dma_start3A_33] : memref<10240x128xf32, #tpu.memory_space<vmem_shared>> -> memref<10240x128xf32, #tpu.memory_space<vmem_shared>>
        tpu.enqueue_indirect_dma source(%arg9 : memref<128x128xf32, #tpu.memory_space<vmem>>) target(%dma_start3A_34 : memref<10240x128xf32, #tpu.memory_space<vmem_shared>>) offsets(%dma_start3A_31 : memref<128xi32, #tpu.memory_space<vmem>>) semaphore(%run_scoped3A : memref<!tpu.dma_semaphore, #tpu.memory_space<semaphore_mem>>) {add = true}
        %dma_wait3A_35 = arith.constant 0 : i32
        %dma_wait3A_36 = tpu.memref_slice %arg8[%scan3A_18, %dma_wait3A_35] : memref<79x128xi32, #tpu.memory_space<vmem>> -> memref<1x128xi32, #tpu.memory_space<vmem>>
        %dma_wait3A_37 = tpu.memref_squeeze %dma_wait3A_36 : memref<1x128xi32, #tpu.memory_space<vmem>> -> memref<128xi32, #tpu.memory_space<vmem>>
        %dma_wait3A_38 = arith.constant 0 : i32
        %dma_wait3A_39 = arith.constant 0 : i32
        %dma_wait3A_40 = tpu.memref_slice %arg10[%dma_wait3A_38, %dma_wait3A_39] : memref<10240x128xf32, #tpu.memory_space<vmem_shared>> -> memref<10240x128xf32, #tpu.memory_space<vmem_shared>>
        tpu.wait_indirect_dma semaphore(%run_scoped3A : memref<!tpu.dma_semaphore, #tpu.memory_space<semaphore_mem>>) src(%arg9 : memref<128x128xf32, #tpu.memory_space<vmem>>) dst(%dma_wait3A_40 : memref<10240x128xf32, #tpu.memory_space<vmem_shared>>)
        tpu.yield
      }) : () -> ()
    }
    %scan3A_9 = arith.constant 79 : i32
    %barrier3A_10 = arith.constant 0 : index
    tpu.barrier barrier_id(%barrier3A_10)
    %mul3A_11 = arith.constant 10240 : i32
    %mul3A_12 = arith.muli %arg0, %mul3A_11 : i32
    %mul3A_13 = arith.constant 640 : i32
    %mul3A_14 = arith.muli %arg1, %mul3A_13 : i32
    %add3A_15 = arith.addi %mul3A_12, %mul3A_14 : i32
    %mul3A_16 = arith.constant 640 : i32
    %mul3A_17 = arith.muli %arg1, %mul3A_16 : i32
    "tpu.region"() ({
      %run_scoped3A = tpu.sem_alloc : memref<!tpu.dma_semaphore, #tpu.memory_space<semaphore_mem>>
      %dma_start3A = arith.constant 0 : i32
      %dma_start3A_18 = tpu.memref_slice %arg6[%add3A_15, %dma_start3A] : memref<20480x128xf32, #tpu.memory_space<hbm>> -> memref<640x128xf32, #tpu.memory_space<hbm>>
      %dma_start3A_19 = arith.constant 0 : i32
      %dma_start3A_20 = tpu.memref_slice %arg10[%mul3A_17, %dma_start3A_19] : memref<10240x128xf32, #tpu.memory_space<vmem_shared>> -> memref<640x128xf32, #tpu.memory_space<vmem_shared>>
      tpu.enqueue_dma source(%dma_start3A_20 : memref<640x128xf32, #tpu.memory_space<vmem_shared>>) target(%dma_start3A_18 : memref<640x128xf32, #tpu.memory_space<hbm>>) target_semaphore(%run_scoped3A : memref<!tpu.dma_semaphore, #tpu.memory_space<semaphore_mem>>)
      %dma_wait3A = arith.constant 0 : i32
      %dma_wait3A_21 = tpu.memref_slice %arg6[%add3A_15, %dma_wait3A] : memref<20480x128xf32, #tpu.memory_space<hbm>> -> memref<640x128xf32, #tpu.memory_space<hbm>>
      %dma_wait3A_22 = arith.constant 0 : i32
      %dma_wait3A_23 = tpu.memref_slice %arg10[%mul3A_17, %dma_wait3A_22] : memref<10240x128xf32, #tpu.memory_space<vmem_shared>> -> memref<640x128xf32, #tpu.memory_space<vmem_shared>>
      tpu.wait_dma2 semaphore(%run_scoped3A : memref<!tpu.dma_semaphore, #tpu.memory_space<semaphore_mem>>) src(%dma_wait3A_23 : memref<640x128xf32, #tpu.memory_space<vmem_shared>>) dst(%dma_wait3A_21 : memref<640x128xf32, #tpu.memory_space<hbm>>)
      tpu.yield
    }) : () -> ()
    return
  }
}

#map = affine_map<(d0, d1) -> (0, 0, 0)>
#map1 = affine_map<(d0, d1) -> (0, 0)>
module attributes {stable_mosaic.version = 14 : i64} {
  func.func @_sc_msg_body(%arg0: i32, %arg1: i32, %arg2: memref<32x79x128xi32, #tpu.memory_space<hbm>>, %arg3: memref<32x79x128xi32, #tpu.memory_space<hbm>>, %arg4: memref<10240x128xf32, #tpu.memory_space<hbm>>, %arg5: memref<10240x128xf32, #tpu.memory_space<hbm>>, %arg6: memref<20480x128xf32, #tpu.memory_space<hbm>>, %arg7: memref<79x128xi32, #tpu.memory_space<vmem>>, %arg8: memref<79x128xi32, #tpu.memory_space<vmem>>, %arg9: memref<128x128xf32, #tpu.memory_space<vmem>>, %arg10: memref<10240x128xf32, #tpu.memory_space<vmem_shared>>, %arg11: memref<!tpu.dma_semaphore, #tpu.memory_space<semaphore_mem>>) attributes {dimension_semantics = [#tpu.dimension_semantics<core_parallel>, #tpu.dimension_semantics<subcore_parallel>], iteration_bounds = array<i64: 2, 16>, scalar_prefetch = 0 : i64, scratch_operands = 5 : i64, tpu.core_type = #tpu.core_type<sc_vector_subcore>, window_params = [{transform_indices = #map}, {transform_indices = #map}, {transform_indices = #map1}, {transform_indices = #map1}, {transform_indices = #map1}]} {
    %mul3A = arith.constant 2 : i32
    %mul3A_0 = arith.muli %arg1, %mul3A : i32
    %add3A = arith.addi %mul3A_0, %arg0 : i32
    %mul3A_1 = arith.constant 640 : i32
    %mul3A_2 = arith.muli %arg1, %mul3A_1 : i32
    %mul3A_3 = arith.constant 640 : i32
    %mul3A_4 = arith.muli %arg1, %mul3A_3 : i32
    "tpu.region"() ({
      %run_scoped3A = tpu.sem_alloc : memref<!tpu.dma_semaphore, #tpu.memory_space<semaphore_mem>>
      %dma_start3A = arith.constant 0 : i32
      %dma_start3A_18 = tpu.memref_slice %arg10[%mul3A_4, %dma_start3A] : memref<10240x128xf32, #tpu.memory_space<vmem_shared>> -> memref<640x128xf32, #tpu.memory_space<vmem_shared>>
      %dma_start3A_19 = arith.constant 0 : i32
      %dma_start3A_20 = tpu.memref_slice %arg5[%mul3A_2, %dma_start3A_19] : memref<10240x128xf32, #tpu.memory_space<hbm>> -> memref<640x128xf32, #tpu.memory_space<hbm>>
      tpu.enqueue_dma source(%dma_start3A_20 : memref<640x128xf32, #tpu.memory_space<hbm>>) target(%dma_start3A_18 : memref<640x128xf32, #tpu.memory_space<vmem_shared>>) target_semaphore(%run_scoped3A : memref<!tpu.dma_semaphore, #tpu.memory_space<semaphore_mem>>)
      %dma_wait3A = arith.constant 0 : i32
      %dma_wait3A_21 = tpu.memref_slice %arg10[%mul3A_4, %dma_wait3A] : memref<10240x128xf32, #tpu.memory_space<vmem_shared>> -> memref<640x128xf32, #tpu.memory_space<vmem_shared>>
      %dma_wait3A_22 = arith.constant 0 : i32
      %dma_wait3A_23 = tpu.memref_slice %arg5[%mul3A_2, %dma_wait3A_22] : memref<10240x128xf32, #tpu.memory_space<hbm>> -> memref<640x128xf32, #tpu.memory_space<hbm>>
      tpu.wait_dma2 semaphore(%run_scoped3A : memref<!tpu.dma_semaphore, #tpu.memory_space<semaphore_mem>>) src(%dma_wait3A_23 : memref<640x128xf32, #tpu.memory_space<hbm>>) dst(%dma_wait3A_21 : memref<640x128xf32, #tpu.memory_space<vmem_shared>>)
      tpu.yield
    }) : () -> ()
    "tpu.region"() ({
      %run_scoped3A = tpu.sem_alloc : memref<!tpu.dma_semaphore, #tpu.memory_space<semaphore_mem>>
      %dma_start3A = arith.constant 0 : i32
      %dma_start3A_18 = arith.constant 0 : i32
      %dma_start3A_19 = tpu.memref_slice %arg2[%add3A, %dma_start3A, %dma_start3A_18] : memref<32x79x128xi32, #tpu.memory_space<hbm>> -> memref<1x79x128xi32, #tpu.memory_space<hbm>>
      %dma_start3A_20 = tpu.memref_squeeze %dma_start3A_19 : memref<1x79x128xi32, #tpu.memory_space<hbm>> -> memref<79x128xi32, #tpu.memory_space<hbm>>
      %dma_start3A_21 = arith.constant 0 : i32
      %dma_start3A_22 = arith.constant 0 : i32
      %dma_start3A_23 = tpu.memref_slice %arg2[%add3A, %dma_start3A_21, %dma_start3A_22] : memref<32x79x128xi32, #tpu.memory_space<hbm>> -> memref<1x79x128xi32, #tpu.memory_space<hbm>>
      %dma_start3A_24 = tpu.memref_squeeze %dma_start3A_23 : memref<1x79x128xi32, #tpu.memory_space<hbm>> -> memref<79x128xi32, #tpu.memory_space<hbm>>
      tpu.enqueue_dma source(%dma_start3A_24 : memref<79x128xi32, #tpu.memory_space<hbm>>) target(%arg7 : memref<79x128xi32, #tpu.memory_space<vmem>>) target_semaphore(%run_scoped3A : memref<!tpu.dma_semaphore, #tpu.memory_space<semaphore_mem>>)
      %dma_wait3A = arith.constant 0 : i32
      %dma_wait3A_25 = arith.constant 0 : i32
      %dma_wait3A_26 = tpu.memref_slice %arg2[%add3A, %dma_wait3A, %dma_wait3A_25] : memref<32x79x128xi32, #tpu.memory_space<hbm>> -> memref<1x79x128xi32, #tpu.memory_space<hbm>>
      %dma_wait3A_27 = tpu.memref_squeeze %dma_wait3A_26 : memref<1x79x128xi32, #tpu.memory_space<hbm>> -> memref<79x128xi32, #tpu.memory_space<hbm>>
      %dma_wait3A_28 = arith.constant 0 : i32
      %dma_wait3A_29 = arith.constant 0 : i32
      %dma_wait3A_30 = tpu.memref_slice %arg2[%add3A, %dma_wait3A_28, %dma_wait3A_29] : memref<32x79x128xi32, #tpu.memory_space<hbm>> -> memref<1x79x128xi32, #tpu.memory_space<hbm>>
      %dma_wait3A_31 = tpu.memref_squeeze %dma_wait3A_30 : memref<1x79x128xi32, #tpu.memory_space<hbm>> -> memref<79x128xi32, #tpu.memory_space<hbm>>
      tpu.wait_dma2 semaphore(%run_scoped3A : memref<!tpu.dma_semaphore, #tpu.memory_space<semaphore_mem>>) src(%dma_wait3A_31 : memref<79x128xi32, #tpu.memory_space<hbm>>) dst(%arg7 : memref<79x128xi32, #tpu.memory_space<vmem>>)
      tpu.yield
    }) : () -> ()
    "tpu.region"() ({
      %run_scoped3A = tpu.sem_alloc : memref<!tpu.dma_semaphore, #tpu.memory_space<semaphore_mem>>
      %dma_start3A = arith.constant 0 : i32
      %dma_start3A_18 = arith.constant 0 : i32
      %dma_start3A_19 = tpu.memref_slice %arg3[%add3A, %dma_start3A, %dma_start3A_18] : memref<32x79x128xi32, #tpu.memory_space<hbm>> -> memref<1x79x128xi32, #tpu.memory_space<hbm>>
      %dma_start3A_20 = tpu.memref_squeeze %dma_start3A_19 : memref<1x79x128xi32, #tpu.memory_space<hbm>> -> memref<79x128xi32, #tpu.memory_space<hbm>>
      %dma_start3A_21 = arith.constant 0 : i32
      %dma_start3A_22 = arith.constant 0 : i32
      %dma_start3A_23 = tpu.memref_slice %arg3[%add3A, %dma_start3A_21, %dma_start3A_22] : memref<32x79x128xi32, #tpu.memory_space<hbm>> -> memref<1x79x128xi32, #tpu.memory_space<hbm>>
      %dma_start3A_24 = tpu.memref_squeeze %dma_start3A_23 : memref<1x79x128xi32, #tpu.memory_space<hbm>> -> memref<79x128xi32, #tpu.memory_space<hbm>>
      tpu.enqueue_dma source(%dma_start3A_24 : memref<79x128xi32, #tpu.memory_space<hbm>>) target(%arg8 : memref<79x128xi32, #tpu.memory_space<vmem>>) target_semaphore(%run_scoped3A : memref<!tpu.dma_semaphore, #tpu.memory_space<semaphore_mem>>)
      %dma_wait3A = arith.constant 0 : i32
      %dma_wait3A_25 = arith.constant 0 : i32
      %dma_wait3A_26 = tpu.memref_slice %arg3[%add3A, %dma_wait3A, %dma_wait3A_25] : memref<32x79x128xi32, #tpu.memory_space<hbm>> -> memref<1x79x128xi32, #tpu.memory_space<hbm>>
      %dma_wait3A_27 = tpu.memref_squeeze %dma_wait3A_26 : memref<1x79x128xi32, #tpu.memory_space<hbm>> -> memref<79x128xi32, #tpu.memory_space<hbm>>
      %dma_wait3A_28 = arith.constant 0 : i32
      %dma_wait3A_29 = arith.constant 0 : i32
      %dma_wait3A_30 = tpu.memref_slice %arg3[%add3A, %dma_wait3A_28, %dma_wait3A_29] : memref<32x79x128xi32, #tpu.memory_space<hbm>> -> memref<1x79x128xi32, #tpu.memory_space<hbm>>
      %dma_wait3A_31 = tpu.memref_squeeze %dma_wait3A_30 : memref<1x79x128xi32, #tpu.memory_space<hbm>> -> memref<79x128xi32, #tpu.memory_space<hbm>>
      tpu.wait_dma2 semaphore(%run_scoped3A : memref<!tpu.dma_semaphore, #tpu.memory_space<semaphore_mem>>) src(%dma_wait3A_31 : memref<79x128xi32, #tpu.memory_space<hbm>>) dst(%arg8 : memref<79x128xi32, #tpu.memory_space<vmem>>)
      tpu.yield
    }) : () -> ()
    %barrier3A = arith.constant 0 : index
    tpu.barrier barrier_id(%barrier3A)
    %scan3A = arith.constant 0 : i32
    %scan3A_5 = arith.constant 0 : i32
    %scan3A_6 = arith.constant 79 : i32
    %scan3A_7 = arith.addi %scan3A_5, %scan3A_6 : i32
    %scan3A_8 = arith.constant 1 : i32
    scf.for %scan3A_18 = %scan3A_5 to %scan3A_7 step %scan3A_8  : i32 {
      %dma_start3A = arith.constant 0 : i32
      %dma_start3A_19 = tpu.memref_slice %arg7[%scan3A_18, %dma_start3A] : memref<79x128xi32, #tpu.memory_space<vmem>> -> memref<1x128xi32, #tpu.memory_space<vmem>>
      %dma_start3A_20 = tpu.memref_squeeze %dma_start3A_19 : memref<1x128xi32, #tpu.memory_space<vmem>> -> memref<128xi32, #tpu.memory_space<vmem>>
      %dma_start3A_21 = arith.constant 0 : i32
      %dma_start3A_22 = arith.constant 0 : i32
      %dma_start3A_23 = tpu.memref_slice %arg4[%dma_start3A_21, %dma_start3A_22] : memref<10240x128xf32, #tpu.memory_space<hbm>> -> memref<10240x128xf32, #tpu.memory_space<hbm>>
      tpu.enqueue_indirect_dma source(%dma_start3A_23 : memref<10240x128xf32, #tpu.memory_space<hbm>>) target(%arg9 : memref<128x128xf32, #tpu.memory_space<vmem>>) offsets(%dma_start3A_20 : memref<128xi32, #tpu.memory_space<vmem>>) semaphore(%arg11 : memref<!tpu.dma_semaphore, #tpu.memory_space<semaphore_mem>>)
      %dma_wait3A = arith.constant 0 : i32
      %dma_wait3A_24 = tpu.memref_slice %arg7[%scan3A_18, %dma_wait3A] : memref<79x128xi32, #tpu.memory_space<vmem>> -> memref<1x128xi32, #tpu.memory_space<vmem>>
      %dma_wait3A_25 = tpu.memref_squeeze %dma_wait3A_24 : memref<1x128xi32, #tpu.memory_space<vmem>> -> memref<128xi32, #tpu.memory_space<vmem>>
      %dma_wait3A_26 = arith.constant 0 : i32
      %dma_wait3A_27 = arith.constant 0 : i32
      %dma_wait3A_28 = tpu.memref_slice %arg4[%dma_wait3A_26, %dma_wait3A_27] : memref<10240x128xf32, #tpu.memory_space<hbm>> -> memref<10240x128xf32, #tpu.memory_space<hbm>>
      tpu.wait_indirect_dma semaphore(%arg11 : memref<!tpu.dma_semaphore, #tpu.memory_space<semaphore_mem>>) src(%dma_wait3A_28 : memref<10240x128xf32, #tpu.memory_space<hbm>>) dst(%arg9 : memref<128x128xf32, #tpu.memory_space<vmem>>)
      "tpu.region"() ({
        %run_scoped3A = tpu.sem_alloc : memref<!tpu.dma_semaphore, #tpu.memory_space<semaphore_mem>>
        %dma_start3A_29 = arith.constant 0 : i32
        %dma_start3A_30 = tpu.memref_slice %arg8[%scan3A_18, %dma_start3A_29] : memref<79x128xi32, #tpu.memory_space<vmem>> -> memref<1x128xi32, #tpu.memory_space<vmem>>
        %dma_start3A_31 = tpu.memref_squeeze %dma_start3A_30 : memref<1x128xi32, #tpu.memory_space<vmem>> -> memref<128xi32, #tpu.memory_space<vmem>>
        %dma_start3A_32 = arith.constant 0 : i32
        %dma_start3A_33 = arith.constant 0 : i32
        %dma_start3A_34 = tpu.memref_slice %arg10[%dma_start3A_32, %dma_start3A_33] : memref<10240x128xf32, #tpu.memory_space<vmem_shared>> -> memref<10240x128xf32, #tpu.memory_space<vmem_shared>>
        tpu.enqueue_indirect_dma source(%arg9 : memref<128x128xf32, #tpu.memory_space<vmem>>) target(%dma_start3A_34 : memref<10240x128xf32, #tpu.memory_space<vmem_shared>>) offsets(%dma_start3A_31 : memref<128xi32, #tpu.memory_space<vmem>>) semaphore(%run_scoped3A : memref<!tpu.dma_semaphore, #tpu.memory_space<semaphore_mem>>) {add = true}
        %dma_wait3A_35 = arith.constant 0 : i32
        %dma_wait3A_36 = tpu.memref_slice %arg8[%scan3A_18, %dma_wait3A_35] : memref<79x128xi32, #tpu.memory_space<vmem>> -> memref<1x128xi32, #tpu.memory_space<vmem>>
        %dma_wait3A_37 = tpu.memref_squeeze %dma_wait3A_36 : memref<1x128xi32, #tpu.memory_space<vmem>> -> memref<128xi32, #tpu.memory_space<vmem>>
        %dma_wait3A_38 = arith.constant 0 : i32
        %dma_wait3A_39 = arith.constant 0 : i32
        %dma_wait3A_40 = tpu.memref_slice %arg10[%dma_wait3A_38, %dma_wait3A_39] : memref<10240x128xf32, #tpu.memory_space<vmem_shared>> -> memref<10240x128xf32, #tpu.memory_space<vmem_shared>>
        tpu.wait_indirect_dma semaphore(%run_scoped3A : memref<!tpu.dma_semaphore, #tpu.memory_space<semaphore_mem>>) src(%arg9 : memref<128x128xf32, #tpu.memory_space<vmem>>) dst(%dma_wait3A_40 : memref<10240x128xf32, #tpu.memory_space<vmem_shared>>)
        tpu.yield
      }) : () -> ()
    }
    %scan3A_9 = arith.constant 79 : i32
    %barrier3A_10 = arith.constant 0 : index
    tpu.barrier barrier_id(%barrier3A_10)
    %mul3A_11 = arith.constant 10240 : i32
    %mul3A_12 = arith.muli %arg0, %mul3A_11 : i32
    %mul3A_13 = arith.constant 640 : i32
    %mul3A_14 = arith.muli %arg1, %mul3A_13 : i32
    %add3A_15 = arith.addi %mul3A_12, %mul3A_14 : i32
    %mul3A_16 = arith.constant 640 : i32
    %mul3A_17 = arith.muli %arg1, %mul3A_16 : i32
    "tpu.region"() ({
      %run_scoped3A = tpu.sem_alloc : memref<!tpu.dma_semaphore, #tpu.memory_space<semaphore_mem>>
      %dma_start3A = arith.constant 0 : i32
      %dma_start3A_18 = tpu.memref_slice %arg6[%add3A_15, %dma_start3A] : memref<20480x128xf32, #tpu.memory_space<hbm>> -> memref<640x128xf32, #tpu.memory_space<hbm>>
      %dma_start3A_19 = arith.constant 0 : i32
      %dma_start3A_20 = tpu.memref_slice %arg10[%mul3A_17, %dma_start3A_19] : memref<10240x128xf32, #tpu.memory_space<vmem_shared>> -> memref<640x128xf32, #tpu.memory_space<vmem_shared>>
      tpu.enqueue_dma source(%dma_start3A_20 : memref<640x128xf32, #tpu.memory_space<vmem_shared>>) target(%dma_start3A_18 : memref<640x128xf32, #tpu.memory_space<hbm>>) target_semaphore(%run_scoped3A : memref<!tpu.dma_semaphore, #tpu.memory_space<semaphore_mem>>)
      %dma_wait3A = arith.constant 0 : i32
      %dma_wait3A_21 = tpu.memref_slice %arg6[%add3A_15, %dma_wait3A] : memref<20480x128xf32, #tpu.memory_space<hbm>> -> memref<640x128xf32, #tpu.memory_space<hbm>>
      %dma_wait3A_22 = arith.constant 0 : i32
      %dma_wait3A_23 = tpu.memref_slice %arg10[%mul3A_17, %dma_wait3A_22] : memref<10240x128xf32, #tpu.memory_space<vmem_shared>> -> memref<640x128xf32, #tpu.memory_space<vmem_shared>>
      tpu.wait_dma2 semaphore(%run_scoped3A : memref<!tpu.dma_semaphore, #tpu.memory_space<semaphore_mem>>) src(%dma_wait3A_23 : memref<640x128xf32, #tpu.memory_space<vmem_shared>>) dst(%dma_wait3A_21 : memref<640x128xf32, #tpu.memory_space<hbm>>)
      tpu.yield
    }) : () -> ()
    return
  }
}

#map = affine_map<(d0, d1) -> (0, 0, 0)>
#map1 = affine_map<(d0, d1) -> (0, 0)>
module attributes {stable_mosaic.version = 14 : i64} {
  func.func @_sc_deg_body(%arg0: i32, %arg1: i32, %arg2: memref<32x79x128xi32, #tpu.memory_space<hbm>>, %arg3: memref<128x128xf32, #tpu.memory_space<hbm>>, %arg4: memref<10240x128xf32, #tpu.memory_space<hbm>>, %arg5: memref<20480x128xf32, #tpu.memory_space<hbm>>, %arg6: memref<79x128xi32, #tpu.memory_space<vmem>>, %arg7: memref<128x128xf32, #tpu.memory_space<vmem>>, %arg8: memref<10240x128xf32, #tpu.memory_space<vmem_shared>>) attributes {dimension_semantics = [#tpu.dimension_semantics<core_parallel>, #tpu.dimension_semantics<subcore_parallel>], iteration_bounds = array<i64: 2, 16>, scalar_prefetch = 0 : i64, scratch_operands = 3 : i64, tpu.core_type = #tpu.core_type<sc_vector_subcore>, window_params = [{transform_indices = #map}, {transform_indices = #map1}, {transform_indices = #map1}, {transform_indices = #map1}]} {
    %mul3A = arith.constant 2 : i32
    %mul3A_0 = arith.muli %arg1, %mul3A : i32
    %add3A = arith.addi %mul3A_0, %arg0 : i32
    %mul3A_1 = arith.constant 640 : i32
    %mul3A_2 = arith.muli %arg1, %mul3A_1 : i32
    %mul3A_3 = arith.constant 640 : i32
    %mul3A_4 = arith.muli %arg1, %mul3A_3 : i32
    "tpu.region"() ({
      %run_scoped3A = tpu.sem_alloc : memref<!tpu.dma_semaphore, #tpu.memory_space<semaphore_mem>>
      %dma_start3A = arith.constant 0 : i32
      %dma_start3A_18 = tpu.memref_slice %arg8[%mul3A_4, %dma_start3A] : memref<10240x128xf32, #tpu.memory_space<vmem_shared>> -> memref<640x128xf32, #tpu.memory_space<vmem_shared>>
      %dma_start3A_19 = arith.constant 0 : i32
      %dma_start3A_20 = tpu.memref_slice %arg4[%mul3A_2, %dma_start3A_19] : memref<10240x128xf32, #tpu.memory_space<hbm>> -> memref<640x128xf32, #tpu.memory_space<hbm>>
      tpu.enqueue_dma source(%dma_start3A_20 : memref<640x128xf32, #tpu.memory_space<hbm>>) target(%dma_start3A_18 : memref<640x128xf32, #tpu.memory_space<vmem_shared>>) target_semaphore(%run_scoped3A : memref<!tpu.dma_semaphore, #tpu.memory_space<semaphore_mem>>)
      %dma_wait3A = arith.constant 0 : i32
      %dma_wait3A_21 = tpu.memref_slice %arg8[%mul3A_4, %dma_wait3A] : memref<10240x128xf32, #tpu.memory_space<vmem_shared>> -> memref<640x128xf32, #tpu.memory_space<vmem_shared>>
      %dma_wait3A_22 = arith.constant 0 : i32
      %dma_wait3A_23 = tpu.memref_slice %arg4[%mul3A_2, %dma_wait3A_22] : memref<10240x128xf32, #tpu.memory_space<hbm>> -> memref<640x128xf32, #tpu.memory_space<hbm>>
      tpu.wait_dma2 semaphore(%run_scoped3A : memref<!tpu.dma_semaphore, #tpu.memory_space<semaphore_mem>>) src(%dma_wait3A_23 : memref<640x128xf32, #tpu.memory_space<hbm>>) dst(%dma_wait3A_21 : memref<640x128xf32, #tpu.memory_space<vmem_shared>>)
      tpu.yield
    }) : () -> ()
    "tpu.region"() ({
      %run_scoped3A = tpu.sem_alloc : memref<!tpu.dma_semaphore, #tpu.memory_space<semaphore_mem>>
      tpu.enqueue_dma source(%arg3 : memref<128x128xf32, #tpu.memory_space<hbm>>) target(%arg7 : memref<128x128xf32, #tpu.memory_space<vmem>>) target_semaphore(%run_scoped3A : memref<!tpu.dma_semaphore, #tpu.memory_space<semaphore_mem>>)
      tpu.wait_dma2 semaphore(%run_scoped3A : memref<!tpu.dma_semaphore, #tpu.memory_space<semaphore_mem>>) src(%arg3 : memref<128x128xf32, #tpu.memory_space<hbm>>) dst(%arg7 : memref<128x128xf32, #tpu.memory_space<vmem>>)
      tpu.yield
    }) : () -> ()
    "tpu.region"() ({
      %run_scoped3A = tpu.sem_alloc : memref<!tpu.dma_semaphore, #tpu.memory_space<semaphore_mem>>
      %dma_start3A = arith.constant 0 : i32
      %dma_start3A_18 = arith.constant 0 : i32
      %dma_start3A_19 = tpu.memref_slice %arg2[%add3A, %dma_start3A, %dma_start3A_18] : memref<32x79x128xi32, #tpu.memory_space<hbm>> -> memref<1x79x128xi32, #tpu.memory_space<hbm>>
      %dma_start3A_20 = tpu.memref_squeeze %dma_start3A_19 : memref<1x79x128xi32, #tpu.memory_space<hbm>> -> memref<79x128xi32, #tpu.memory_space<hbm>>
      %dma_start3A_21 = arith.constant 0 : i32
      %dma_start3A_22 = arith.constant 0 : i32
      %dma_start3A_23 = tpu.memref_slice %arg2[%add3A, %dma_start3A_21, %dma_start3A_22] : memref<32x79x128xi32, #tpu.memory_space<hbm>> -> memref<1x79x128xi32, #tpu.memory_space<hbm>>
      %dma_start3A_24 = tpu.memref_squeeze %dma_start3A_23 : memref<1x79x128xi32, #tpu.memory_space<hbm>> -> memref<79x128xi32, #tpu.memory_space<hbm>>
      tpu.enqueue_dma source(%dma_start3A_24 : memref<79x128xi32, #tpu.memory_space<hbm>>) target(%arg6 : memref<79x128xi32, #tpu.memory_space<vmem>>) target_semaphore(%run_scoped3A : memref<!tpu.dma_semaphore, #tpu.memory_space<semaphore_mem>>)
      %dma_wait3A = arith.constant 0 : i32
      %dma_wait3A_25 = arith.constant 0 : i32
      %dma_wait3A_26 = tpu.memref_slice %arg2[%add3A, %dma_wait3A, %dma_wait3A_25] : memref<32x79x128xi32, #tpu.memory_space<hbm>> -> memref<1x79x128xi32, #tpu.memory_space<hbm>>
      %dma_wait3A_27 = tpu.memref_squeeze %dma_wait3A_26 : memref<1x79x128xi32, #tpu.memory_space<hbm>> -> memref<79x128xi32, #tpu.memory_space<hbm>>
      %dma_wait3A_28 = arith.constant 0 : i32
      %dma_wait3A_29 = arith.constant 0 : i32
      %dma_wait3A_30 = tpu.memref_slice %arg2[%add3A, %dma_wait3A_28, %dma_wait3A_29] : memref<32x79x128xi32, #tpu.memory_space<hbm>> -> memref<1x79x128xi32, #tpu.memory_space<hbm>>
      %dma_wait3A_31 = tpu.memref_squeeze %dma_wait3A_30 : memref<1x79x128xi32, #tpu.memory_space<hbm>> -> memref<79x128xi32, #tpu.memory_space<hbm>>
      tpu.wait_dma2 semaphore(%run_scoped3A : memref<!tpu.dma_semaphore, #tpu.memory_space<semaphore_mem>>) src(%dma_wait3A_31 : memref<79x128xi32, #tpu.memory_space<hbm>>) dst(%arg6 : memref<79x128xi32, #tpu.memory_space<vmem>>)
      tpu.yield
    }) : () -> ()
    %barrier3A = arith.constant 0 : index
    tpu.barrier barrier_id(%barrier3A)
    %scan3A = arith.constant 0 : i32
    %scan3A_5 = arith.constant 0 : i32
    %scan3A_6 = arith.constant 79 : i32
    %scan3A_7 = arith.addi %scan3A_5, %scan3A_6 : i32
    %scan3A_8 = arith.constant 1 : i32
    scf.for %scan3A_18 = %scan3A_5 to %scan3A_7 step %scan3A_8  : i32 {
      "tpu.region"() ({
        %run_scoped3A = tpu.sem_alloc : memref<!tpu.dma_semaphore, #tpu.memory_space<semaphore_mem>>
        %dma_start3A = arith.constant 0 : i32
        %dma_start3A_19 = tpu.memref_slice %arg6[%scan3A_18, %dma_start3A] : memref<79x128xi32, #tpu.memory_space<vmem>> -> memref<1x128xi32, #tpu.memory_space<vmem>>
        %dma_start3A_20 = tpu.memref_squeeze %dma_start3A_19 : memref<1x128xi32, #tpu.memory_space<vmem>> -> memref<128xi32, #tpu.memory_space<vmem>>
        %dma_start3A_21 = arith.constant 0 : i32
        %dma_start3A_22 = arith.constant 0 : i32
        %dma_start3A_23 = tpu.memref_slice %arg8[%dma_start3A_21, %dma_start3A_22] : memref<10240x128xf32, #tpu.memory_space<vmem_shared>> -> memref<10240x128xf32, #tpu.memory_space<vmem_shared>>
        tpu.enqueue_indirect_dma source(%arg7 : memref<128x128xf32, #tpu.memory_space<vmem>>) target(%dma_start3A_23 : memref<10240x128xf32, #tpu.memory_space<vmem_shared>>) offsets(%dma_start3A_20 : memref<128xi32, #tpu.memory_space<vmem>>) semaphore(%run_scoped3A : memref<!tpu.dma_semaphore, #tpu.memory_space<semaphore_mem>>) {add = true}
        %dma_wait3A = arith.constant 0 : i32
        %dma_wait3A_24 = tpu.memref_slice %arg6[%scan3A_18, %dma_wait3A] : memref<79x128xi32, #tpu.memory_space<vmem>> -> memref<1x128xi32, #tpu.memory_space<vmem>>
        %dma_wait3A_25 = tpu.memref_squeeze %dma_wait3A_24 : memref<1x128xi32, #tpu.memory_space<vmem>> -> memref<128xi32, #tpu.memory_space<vmem>>
        %dma_wait3A_26 = arith.constant 0 : i32
        %dma_wait3A_27 = arith.constant 0 : i32
        %dma_wait3A_28 = tpu.memref_slice %arg8[%dma_wait3A_26, %dma_wait3A_27] : memref<10240x128xf32, #tpu.memory_space<vmem_shared>> -> memref<10240x128xf32, #tpu.memory_space<vmem_shared>>
        tpu.wait_indirect_dma semaphore(%run_scoped3A : memref<!tpu.dma_semaphore, #tpu.memory_space<semaphore_mem>>) src(%arg7 : memref<128x128xf32, #tpu.memory_space<vmem>>) dst(%dma_wait3A_28 : memref<10240x128xf32, #tpu.memory_space<vmem_shared>>)
        tpu.yield
      }) : () -> ()
    }
    %scan3A_9 = arith.constant 79 : i32
    %barrier3A_10 = arith.constant 0 : index
    tpu.barrier barrier_id(%barrier3A_10)
    %mul3A_11 = arith.constant 10240 : i32
    %mul3A_12 = arith.muli %arg0, %mul3A_11 : i32
    %mul3A_13 = arith.constant 640 : i32
    %mul3A_14 = arith.muli %arg1, %mul3A_13 : i32
    %add3A_15 = arith.addi %mul3A_12, %mul3A_14 : i32
    %mul3A_16 = arith.constant 640 : i32
    %mul3A_17 = arith.muli %arg1, %mul3A_16 : i32
    "tpu.region"() ({
      %run_scoped3A = tpu.sem_alloc : memref<!tpu.dma_semaphore, #tpu.memory_space<semaphore_mem>>
      %dma_start3A = arith.constant 0 : i32
      %dma_start3A_18 = tpu.memref_slice %arg5[%add3A_15, %dma_start3A] : memref<20480x128xf32, #tpu.memory_space<hbm>> -> memref<640x128xf32, #tpu.memory_space<hbm>>
      %dma_start3A_19 = arith.constant 0 : i32
      %dma_start3A_20 = tpu.memref_slice %arg8[%mul3A_17, %dma_start3A_19] : memref<10240x128xf32, #tpu.memory_space<vmem_shared>> -> memref<640x128xf32, #tpu.memory_space<vmem_shared>>
      tpu.enqueue_dma source(%dma_start3A_20 : memref<640x128xf32, #tpu.memory_space<vmem_shared>>) target(%dma_start3A_18 : memref<640x128xf32, #tpu.memory_space<hbm>>) target_semaphore(%run_scoped3A : memref<!tpu.dma_semaphore, #tpu.memory_space<semaphore_mem>>)
      %dma_wait3A = arith.constant 0 : i32
      %dma_wait3A_21 = tpu.memref_slice %arg5[%add3A_15, %dma_wait3A] : memref<20480x128xf32, #tpu.memory_space<hbm>> -> memref<640x128xf32, #tpu.memory_space<hbm>>
      %dma_wait3A_22 = arith.constant 0 : i32
      %dma_wait3A_23 = tpu.memref_slice %arg8[%mul3A_17, %dma_wait3A_22] : memref<10240x128xf32, #tpu.memory_space<vmem_shared>> -> memref<640x128xf32, #tpu.memory_space<vmem_shared>>
      tpu.wait_dma2 semaphore(%run_scoped3A : memref<!tpu.dma_semaphore, #tpu.memory_space<semaphore_mem>>) src(%dma_wait3A_23 : memref<640x128xf32, #tpu.memory_space<vmem_shared>>) dst(%dma_wait3A_21 : memref<640x128xf32, #tpu.memory_space<hbm>>)
      tpu.yield
    }) : () -> ()
    return
  }
}

#map = affine_map<(d0, d1) -> (0, 0, 0)>
#map1 = affine_map<(d0, d1) -> (0, 0)>
module attributes {stable_mosaic.version = 14 : i64} {
  func.func @_sc_msg_body(%arg0: i32, %arg1: i32, %arg2: memref<32x79x128xi32, #tpu.memory_space<hbm>>, %arg3: memref<32x79x128xi32, #tpu.memory_space<hbm>>, %arg4: memref<10240x128xf32, #tpu.memory_space<hbm>>, %arg5: memref<10240x128xf32, #tpu.memory_space<hbm>>, %arg6: memref<20480x128xf32, #tpu.memory_space<hbm>>, %arg7: memref<79x128xi32, #tpu.memory_space<vmem>>, %arg8: memref<79x128xi32, #tpu.memory_space<vmem>>, %arg9: memref<128x128xf32, #tpu.memory_space<vmem>>, %arg10: memref<10240x128xf32, #tpu.memory_space<vmem_shared>>, %arg11: memref<!tpu.dma_semaphore, #tpu.memory_space<semaphore_mem>>) attributes {dimension_semantics = [#tpu.dimension_semantics<core_parallel>, #tpu.dimension_semantics<subcore_parallel>], iteration_bounds = array<i64: 2, 16>, scalar_prefetch = 0 : i64, scratch_operands = 5 : i64, tpu.core_type = #tpu.core_type<sc_vector_subcore>, window_params = [{transform_indices = #map}, {transform_indices = #map}, {transform_indices = #map1}, {transform_indices = #map1}, {transform_indices = #map1}]} {
    %mul3A = arith.constant 2 : i32
    %mul3A_0 = arith.muli %arg1, %mul3A : i32
    %add3A = arith.addi %mul3A_0, %arg0 : i32
    %mul3A_1 = arith.constant 640 : i32
    %mul3A_2 = arith.muli %arg1, %mul3A_1 : i32
    %mul3A_3 = arith.constant 640 : i32
    %mul3A_4 = arith.muli %arg1, %mul3A_3 : i32
    "tpu.region"() ({
      %run_scoped3A = tpu.sem_alloc : memref<!tpu.dma_semaphore, #tpu.memory_space<semaphore_mem>>
      %dma_start3A = arith.constant 0 : i32
      %dma_start3A_18 = tpu.memref_slice %arg10[%mul3A_4, %dma_start3A] : memref<10240x128xf32, #tpu.memory_space<vmem_shared>> -> memref<640x128xf32, #tpu.memory_space<vmem_shared>>
      %dma_start3A_19 = arith.constant 0 : i32
      %dma_start3A_20 = tpu.memref_slice %arg5[%mul3A_2, %dma_start3A_19] : memref<10240x128xf32, #tpu.memory_space<hbm>> -> memref<640x128xf32, #tpu.memory_space<hbm>>
      tpu.enqueue_dma source(%dma_start3A_20 : memref<640x128xf32, #tpu.memory_space<hbm>>) target(%dma_start3A_18 : memref<640x128xf32, #tpu.memory_space<vmem_shared>>) target_semaphore(%run_scoped3A : memref<!tpu.dma_semaphore, #tpu.memory_space<semaphore_mem>>)
      %dma_wait3A = arith.constant 0 : i32
      %dma_wait3A_21 = tpu.memref_slice %arg10[%mul3A_4, %dma_wait3A] : memref<10240x128xf32, #tpu.memory_space<vmem_shared>> -> memref<640x128xf32, #tpu.memory_space<vmem_shared>>
      %dma_wait3A_22 = arith.constant 0 : i32
      %dma_wait3A_23 = tpu.memref_slice %arg5[%mul3A_2, %dma_wait3A_22] : memref<10240x128xf32, #tpu.memory_space<hbm>> -> memref<640x128xf32, #tpu.memory_space<hbm>>
      tpu.wait_dma2 semaphore(%run_scoped3A : memref<!tpu.dma_semaphore, #tpu.memory_space<semaphore_mem>>) src(%dma_wait3A_23 : memref<640x128xf32, #tpu.memory_space<hbm>>) dst(%dma_wait3A_21 : memref<640x128xf32, #tpu.memory_space<vmem_shared>>)
      tpu.yield
    }) : () -> ()
    "tpu.region"() ({
      %run_scoped3A = tpu.sem_alloc : memref<!tpu.dma_semaphore, #tpu.memory_space<semaphore_mem>>
      %dma_start3A = arith.constant 0 : i32
      %dma_start3A_18 = arith.constant 0 : i32
      %dma_start3A_19 = tpu.memref_slice %arg2[%add3A, %dma_start3A, %dma_start3A_18] : memref<32x79x128xi32, #tpu.memory_space<hbm>> -> memref<1x79x128xi32, #tpu.memory_space<hbm>>
      %dma_start3A_20 = tpu.memref_squeeze %dma_start3A_19 : memref<1x79x128xi32, #tpu.memory_space<hbm>> -> memref<79x128xi32, #tpu.memory_space<hbm>>
      %dma_start3A_21 = arith.constant 0 : i32
      %dma_start3A_22 = arith.constant 0 : i32
      %dma_start3A_23 = tpu.memref_slice %arg2[%add3A, %dma_start3A_21, %dma_start3A_22] : memref<32x79x128xi32, #tpu.memory_space<hbm>> -> memref<1x79x128xi32, #tpu.memory_space<hbm>>
      %dma_start3A_24 = tpu.memref_squeeze %dma_start3A_23 : memref<1x79x128xi32, #tpu.memory_space<hbm>> -> memref<79x128xi32, #tpu.memory_space<hbm>>
      tpu.enqueue_dma source(%dma_start3A_24 : memref<79x128xi32, #tpu.memory_space<hbm>>) target(%arg7 : memref<79x128xi32, #tpu.memory_space<vmem>>) target_semaphore(%run_scoped3A : memref<!tpu.dma_semaphore, #tpu.memory_space<semaphore_mem>>)
      %dma_wait3A = arith.constant 0 : i32
      %dma_wait3A_25 = arith.constant 0 : i32
      %dma_wait3A_26 = tpu.memref_slice %arg2[%add3A, %dma_wait3A, %dma_wait3A_25] : memref<32x79x128xi32, #tpu.memory_space<hbm>> -> memref<1x79x128xi32, #tpu.memory_space<hbm>>
      %dma_wait3A_27 = tpu.memref_squeeze %dma_wait3A_26 : memref<1x79x128xi32, #tpu.memory_space<hbm>> -> memref<79x128xi32, #tpu.memory_space<hbm>>
      %dma_wait3A_28 = arith.constant 0 : i32
      %dma_wait3A_29 = arith.constant 0 : i32
      %dma_wait3A_30 = tpu.memref_slice %arg2[%add3A, %dma_wait3A_28, %dma_wait3A_29] : memref<32x79x128xi32, #tpu.memory_space<hbm>> -> memref<1x79x128xi32, #tpu.memory_space<hbm>>
      %dma_wait3A_31 = tpu.memref_squeeze %dma_wait3A_30 : memref<1x79x128xi32, #tpu.memory_space<hbm>> -> memref<79x128xi32, #tpu.memory_space<hbm>>
      tpu.wait_dma2 semaphore(%run_scoped3A : memref<!tpu.dma_semaphore, #tpu.memory_space<semaphore_mem>>) src(%dma_wait3A_31 : memref<79x128xi32, #tpu.memory_space<hbm>>) dst(%arg7 : memref<79x128xi32, #tpu.memory_space<vmem>>)
      tpu.yield
    }) : () -> ()
    "tpu.region"() ({
      %run_scoped3A = tpu.sem_alloc : memref<!tpu.dma_semaphore, #tpu.memory_space<semaphore_mem>>
      %dma_start3A = arith.constant 0 : i32
      %dma_start3A_18 = arith.constant 0 : i32
      %dma_start3A_19 = tpu.memref_slice %arg3[%add3A, %dma_start3A, %dma_start3A_18] : memref<32x79x128xi32, #tpu.memory_space<hbm>> -> memref<1x79x128xi32, #tpu.memory_space<hbm>>
      %dma_start3A_20 = tpu.memref_squeeze %dma_start3A_19 : memref<1x79x128xi32, #tpu.memory_space<hbm>> -> memref<79x128xi32, #tpu.memory_space<hbm>>
      %dma_start3A_21 = arith.constant 0 : i32
      %dma_start3A_22 = arith.constant 0 : i32
      %dma_start3A_23 = tpu.memref_slice %arg3[%add3A, %dma_start3A_21, %dma_start3A_22] : memref<32x79x128xi32, #tpu.memory_space<hbm>> -> memref<1x79x128xi32, #tpu.memory_space<hbm>>
      %dma_start3A_24 = tpu.memref_squeeze %dma_start3A_23 : memref<1x79x128xi32, #tpu.memory_space<hbm>> -> memref<79x128xi32, #tpu.memory_space<hbm>>
      tpu.enqueue_dma source(%dma_start3A_24 : memref<79x128xi32, #tpu.memory_space<hbm>>) target(%arg8 : memref<79x128xi32, #tpu.memory_space<vmem>>) target_semaphore(%run_scoped3A : memref<!tpu.dma_semaphore, #tpu.memory_space<semaphore_mem>>)
      %dma_wait3A = arith.constant 0 : i32
      %dma_wait3A_25 = arith.constant 0 : i32
      %dma_wait3A_26 = tpu.memref_slice %arg3[%add3A, %dma_wait3A, %dma_wait3A_25] : memref<32x79x128xi32, #tpu.memory_space<hbm>> -> memref<1x79x128xi32, #tpu.memory_space<hbm>>
      %dma_wait3A_27 = tpu.memref_squeeze %dma_wait3A_26 : memref<1x79x128xi32, #tpu.memory_space<hbm>> -> memref<79x128xi32, #tpu.memory_space<hbm>>
      %dma_wait3A_28 = arith.constant 0 : i32
      %dma_wait3A_29 = arith.constant 0 : i32
      %dma_wait3A_30 = tpu.memref_slice %arg3[%add3A, %dma_wait3A_28, %dma_wait3A_29] : memref<32x79x128xi32, #tpu.memory_space<hbm>> -> memref<1x79x128xi32, #tpu.memory_space<hbm>>
      %dma_wait3A_31 = tpu.memref_squeeze %dma_wait3A_30 : memref<1x79x128xi32, #tpu.memory_space<hbm>> -> memref<79x128xi32, #tpu.memory_space<hbm>>
      tpu.wait_dma2 semaphore(%run_scoped3A : memref<!tpu.dma_semaphore, #tpu.memory_space<semaphore_mem>>) src(%dma_wait3A_31 : memref<79x128xi32, #tpu.memory_space<hbm>>) dst(%arg8 : memref<79x128xi32, #tpu.memory_space<vmem>>)
      tpu.yield
    }) : () -> ()
    %barrier3A = arith.constant 0 : index
    tpu.barrier barrier_id(%barrier3A)
    %scan3A = arith.constant 0 : i32
    %scan3A_5 = arith.constant 0 : i32
    %scan3A_6 = arith.constant 79 : i32
    %scan3A_7 = arith.addi %scan3A_5, %scan3A_6 : i32
    %scan3A_8 = arith.constant 1 : i32
    scf.for %scan3A_18 = %scan3A_5 to %scan3A_7 step %scan3A_8  : i32 {
      %dma_start3A = arith.constant 0 : i32
      %dma_start3A_19 = tpu.memref_slice %arg7[%scan3A_18, %dma_start3A] : memref<79x128xi32, #tpu.memory_space<vmem>> -> memref<1x128xi32, #tpu.memory_space<vmem>>
      %dma_start3A_20 = tpu.memref_squeeze %dma_start3A_19 : memref<1x128xi32, #tpu.memory_space<vmem>> -> memref<128xi32, #tpu.memory_space<vmem>>
      %dma_start3A_21 = arith.constant 0 : i32
      %dma_start3A_22 = arith.constant 0 : i32
      %dma_start3A_23 = tpu.memref_slice %arg4[%dma_start3A_21, %dma_start3A_22] : memref<10240x128xf32, #tpu.memory_space<hbm>> -> memref<10240x128xf32, #tpu.memory_space<hbm>>
      tpu.enqueue_indirect_dma source(%dma_start3A_23 : memref<10240x128xf32, #tpu.memory_space<hbm>>) target(%arg9 : memref<128x128xf32, #tpu.memory_space<vmem>>) offsets(%dma_start3A_20 : memref<128xi32, #tpu.memory_space<vmem>>) semaphore(%arg11 : memref<!tpu.dma_semaphore, #tpu.memory_space<semaphore_mem>>)
      %dma_wait3A = arith.constant 0 : i32
      %dma_wait3A_24 = tpu.memref_slice %arg7[%scan3A_18, %dma_wait3A] : memref<79x128xi32, #tpu.memory_space<vmem>> -> memref<1x128xi32, #tpu.memory_space<vmem>>
      %dma_wait3A_25 = tpu.memref_squeeze %dma_wait3A_24 : memref<1x128xi32, #tpu.memory_space<vmem>> -> memref<128xi32, #tpu.memory_space<vmem>>
      %dma_wait3A_26 = arith.constant 0 : i32
      %dma_wait3A_27 = arith.constant 0 : i32
      %dma_wait3A_28 = tpu.memref_slice %arg4[%dma_wait3A_26, %dma_wait3A_27] : memref<10240x128xf32, #tpu.memory_space<hbm>> -> memref<10240x128xf32, #tpu.memory_space<hbm>>
      tpu.wait_indirect_dma semaphore(%arg11 : memref<!tpu.dma_semaphore, #tpu.memory_space<semaphore_mem>>) src(%dma_wait3A_28 : memref<10240x128xf32, #tpu.memory_space<hbm>>) dst(%arg9 : memref<128x128xf32, #tpu.memory_space<vmem>>)
      "tpu.region"() ({
        %run_scoped3A = tpu.sem_alloc : memref<!tpu.dma_semaphore, #tpu.memory_space<semaphore_mem>>
        %dma_start3A_29 = arith.constant 0 : i32
        %dma_start3A_30 = tpu.memref_slice %arg8[%scan3A_18, %dma_start3A_29] : memref<79x128xi32, #tpu.memory_space<vmem>> -> memref<1x128xi32, #tpu.memory_space<vmem>>
        %dma_start3A_31 = tpu.memref_squeeze %dma_start3A_30 : memref<1x128xi32, #tpu.memory_space<vmem>> -> memref<128xi32, #tpu.memory_space<vmem>>
        %dma_start3A_32 = arith.constant 0 : i32
        %dma_start3A_33 = arith.constant 0 : i32
        %dma_start3A_34 = tpu.memref_slice %arg10[%dma_start3A_32, %dma_start3A_33] : memref<10240x128xf32, #tpu.memory_space<vmem_shared>> -> memref<10240x128xf32, #tpu.memory_space<vmem_shared>>
        tpu.enqueue_indirect_dma source(%arg9 : memref<128x128xf32, #tpu.memory_space<vmem>>) target(%dma_start3A_34 : memref<10240x128xf32, #tpu.memory_space<vmem_shared>>) offsets(%dma_start3A_31 : memref<128xi32, #tpu.memory_space<vmem>>) semaphore(%run_scoped3A : memref<!tpu.dma_semaphore, #tpu.memory_space<semaphore_mem>>) {add = true}
        %dma_wait3A_35 = arith.constant 0 : i32
        %dma_wait3A_36 = tpu.memref_slice %arg8[%scan3A_18, %dma_wait3A_35] : memref<79x128xi32, #tpu.memory_space<vmem>> -> memref<1x128xi32, #tpu.memory_space<vmem>>
        %dma_wait3A_37 = tpu.memref_squeeze %dma_wait3A_36 : memref<1x128xi32, #tpu.memory_space<vmem>> -> memref<128xi32, #tpu.memory_space<vmem>>
        %dma_wait3A_38 = arith.constant 0 : i32
        %dma_wait3A_39 = arith.constant 0 : i32
        %dma_wait3A_40 = tpu.memref_slice %arg10[%dma_wait3A_38, %dma_wait3A_39] : memref<10240x128xf32, #tpu.memory_space<vmem_shared>> -> memref<10240x128xf32, #tpu.memory_space<vmem_shared>>
        tpu.wait_indirect_dma semaphore(%run_scoped3A : memref<!tpu.dma_semaphore, #tpu.memory_space<semaphore_mem>>) src(%arg9 : memref<128x128xf32, #tpu.memory_space<vmem>>) dst(%dma_wait3A_40 : memref<10240x128xf32, #tpu.memory_space<vmem_shared>>)
        tpu.yield
      }) : () -> ()
    }
    %scan3A_9 = arith.constant 79 : i32
    %barrier3A_10 = arith.constant 0 : index
    tpu.barrier barrier_id(%barrier3A_10)
    %mul3A_11 = arith.constant 10240 : i32
    %mul3A_12 = arith.muli %arg0, %mul3A_11 : i32
    %mul3A_13 = arith.constant 640 : i32
    %mul3A_14 = arith.muli %arg1, %mul3A_13 : i32
    %add3A_15 = arith.addi %mul3A_12, %mul3A_14 : i32
    %mul3A_16 = arith.constant 640 : i32
    %mul3A_17 = arith.muli %arg1, %mul3A_16 : i32
    "tpu.region"() ({
      %run_scoped3A = tpu.sem_alloc : memref<!tpu.dma_semaphore, #tpu.memory_space<semaphore_mem>>
      %dma_start3A = arith.constant 0 : i32
      %dma_start3A_18 = tpu.memref_slice %arg6[%add3A_15, %dma_start3A] : memref<20480x128xf32, #tpu.memory_space<hbm>> -> memref<640x128xf32, #tpu.memory_space<hbm>>
      %dma_start3A_19 = arith.constant 0 : i32
      %dma_start3A_20 = tpu.memref_slice %arg10[%mul3A_17, %dma_start3A_19] : memref<10240x128xf32, #tpu.memory_space<vmem_shared>> -> memref<640x128xf32, #tpu.memory_space<vmem_shared>>
      tpu.enqueue_dma source(%dma_start3A_20 : memref<640x128xf32, #tpu.memory_space<vmem_shared>>) target(%dma_start3A_18 : memref<640x128xf32, #tpu.memory_space<hbm>>) target_semaphore(%run_scoped3A : memref<!tpu.dma_semaphore, #tpu.memory_space<semaphore_mem>>)
      %dma_wait3A = arith.constant 0 : i32
      %dma_wait3A_21 = tpu.memref_slice %arg6[%add3A_15, %dma_wait3A] : memref<20480x128xf32, #tpu.memory_space<hbm>> -> memref<640x128xf32, #tpu.memory_space<hbm>>
      %dma_wait3A_22 = arith.constant 0 : i32
      %dma_wait3A_23 = tpu.memref_slice %arg10[%mul3A_17, %dma_wait3A_22] : memref<10240x128xf32, #tpu.memory_space<vmem_shared>> -> memref<640x128xf32, #tpu.memory_space<vmem_shared>>
      tpu.wait_dma2 semaphore(%run_scoped3A : memref<!tpu.dma_semaphore, #tpu.memory_space<semaphore_mem>>) src(%dma_wait3A_23 : memref<640x128xf32, #tpu.memory_space<vmem_shared>>) dst(%dma_wait3A_21 : memref<640x128xf32, #tpu.memory_space<hbm>>)
      tpu.yield
    }) : () -> ()
    return
  }
}

module attributes {stable_mosaic.version = 14 : i64} {
  func.func @_tc1_body(%arg0: i32, %arg1: memref<2x512x128xf32, #tpu.memory_space<vmem>>, %arg2: memref<512x128xf32, #tpu.memory_space<vmem>>, %arg3: memref<128x128xf32, #tpu.memory_space<vmem>>, %arg4: memref<512x128xf32, #tpu.memory_space<vmem>>, %arg5: memref<512x1xf32, #tpu.memory_space<vmem>>) attributes {dimension_semantics = [#tpu.dimension_semantics<arbitrary>], iteration_bounds = array<i64: 20>, scalar_prefetch = 0 : i64, scratch_operands = 0 : i64, tpu.core_type = #tpu.core_type<tc>, window_params = [{transform_indices = @transform_0, window_bounds = array<i64: 2, 512, 128>}, {transform_indices = @transform_1, window_bounds = array<i64: 512, 128>}, {pipeline_mode = #tpu.pipeline_mode<synchronous>, transform_indices = @transform_2, window_bounds = array<i64: 128, 128>}, {transform_indices = @transform_3, window_bounds = array<i64: 512, 128>}, {transform_indices = @transform_4, window_bounds = array<i64: 512, 1>}]} {
    %get3A = arith.constant 0 : index
    %get3A_0 = arith.constant 0 : index
    %get3A_1 = arith.constant 0 : index
    %get3A_2 = vector.load %arg1[%get3A, %get3A_0, %get3A_1] : memref<2x512x128xf32, #tpu.memory_space<vmem>>, vector<2x512x128xf32>
    %slice3A = vector.extract_strided_slice %get3A_2 {offsets = [0, 0, 0], sizes = [1, 512, 1], strides = [1, 1, 1]} : vector<2x512x128xf32> to vector<1x512x1xf32>
    %squeeze3A = vector.shape_cast %slice3A : vector<1x512x1xf32> to vector<512x1xf32>
    %slice3A_3 = vector.extract_strided_slice %get3A_2 {offsets = [1, 0, 0], sizes = [1, 512, 1], strides = [1, 1, 1]} : vector<2x512x128xf32> to vector<1x512x1xf32>
    %squeeze3A_4 = vector.shape_cast %slice3A_3 : vector<1x512x1xf32> to vector<512x1xf32>
    %add3A = arith.addf %squeeze3A, %squeeze3A_4 : vector<512x1xf32>
    %add3A_5 = arith.constant 1.000000e+00 : f32
    %add3A_6 = vector.broadcast %add3A_5 : f32 to vector<512x1xf32>
    %add3A_7 = arith.addf %add3A, %add3A_6 : vector<512x1xf32>
    %rsqrt3A = math.rsqrt %add3A_7 : vector<512x1xf32>
    %get3A_8 = arith.constant 0 : index
    %get3A_9 = arith.constant 0 : index
    %get3A_10 = vector.load %arg2[%get3A_8, %get3A_9] : memref<512x128xf32, #tpu.memory_space<vmem>>, vector<512x128xf32>
    %get3A_11 = arith.constant 0 : index
    %get3A_12 = arith.constant 0 : index
    %get3A_13 = vector.load %arg3[%get3A_11, %get3A_12] : memref<128x128xf32, #tpu.memory_space<vmem>>, vector<128x128xf32>
    %dot_general3A = arith.constant dense<0.000000e+00> : vector<512x128xf32>
    %dot_general3A_14 = tpu.matmul %get3A_10, %get3A_13, %dot_general3A {dimension_numbers = #tpu.dot_dimension_numbers<[1], [0], [0], [1], [0, 0, 1, 1], [], []>, transpose_lhs_hint = false} : vector<512x128xf32>, vector<128x128xf32>, vector<512x128xf32> -> vector<512x128xf32>
    %mul3A = vector.broadcast %rsqrt3A : vector<512x1xf32> to vector<512x128xf32>
    %mul3A_15 = arith.mulf %dot_general3A_14, %mul3A : vector<512x128xf32>
    %swap3A = arith.constant 0 : index
    %swap3A_16 = arith.constant 0 : index
    %swap3A_17 = vector.load %arg4[%swap3A, %swap3A_16] : memref<512x128xf32, #tpu.memory_space<vmem>>, vector<512x128xf32>
    tpu.vector_store %arg4[%swap3A, %swap3A_16], %mul3A_15 {strides = array<i32>} : memref<512x128xf32, #tpu.memory_space<vmem>>, vector<512x128xf32>,
    %swap3A_18 = arith.constant 0 : index
    %swap3A_19 = arith.constant 0 : index
    %swap3A_20 = vector.load %arg5[%swap3A_18, %swap3A_19] : memref<512x1xf32, #tpu.memory_space<vmem>>, vector<512x1xf32>
    tpu.vector_store %arg5[%swap3A_18, %swap3A_19], %rsqrt3A {strides = array<i32>} : memref<512x1xf32, #tpu.memory_space<vmem>>, vector<512x1xf32>,
    return
  }
  func.func @transform_0(%arg0: i32) -> (i32, i32, i32) {
    %c0_i32 = arith.constant 0 : i32
    %c0_i32_0 = arith.constant 0 : i32
    %c0_i32_1 = arith.constant 0 : i32
    return %c0_i32, %arg0, %c0_i32_0 : i32, i32, i32
  }
  func.func @transform_1(%arg0: i32) -> (i32, i32) {
    %c0_i32 = arith.constant 0 : i32
    %c0_i32_0 = arith.constant 0 : i32
    return %arg0, %c0_i32 : i32, i32
  }
  func.func @transform_2(%arg0: i32) -> (i32, i32) {
    %c0_i32 = arith.constant 0 : i32
    %c0_i32_0 = arith.constant 0 : i32
    %c0_i32_1 = arith.constant 0 : i32
    return %c0_i32, %c0_i32_0 : i32, i32
  }
  func.func @transform_3(%arg0: i32) -> (i32, i32) {
    %c0_i32 = arith.constant 0 : i32
    %c0_i32_0 = arith.constant 0 : i32
    return %arg0, %c0_i32 : i32, i32
  }
  func.func @transform_4(%arg0: i32) -> (i32, i32) {
    %c0_i32 = arith.constant 0 : i32
    %c0_i32_0 = arith.constant 0 : i32
    return %arg0, %c0_i32 : i32, i32
  }
}

module attributes {stable_mosaic.version = 14 : i64} {
  func.func @_tca_body(%arg0: i32, %arg1: memref<2x512x128xf32, #tpu.memory_space<vmem>>, %arg2: memref<512x128xf32, #tpu.memory_space<vmem>>, %arg3: memref<512x1xf32, #tpu.memory_space<vmem>>, %arg4: memref<1x128xf32, #tpu.memory_space<vmem>>, %arg5: memref<512x128xf32, #tpu.memory_space<vmem>>, %arg6: memref<8x128xf32, #tpu.memory_space<vmem>>) attributes {dimension_semantics = [#tpu.dimension_semantics<arbitrary>], iteration_bounds = array<i64: 20>, scalar_prefetch = 0 : i64, scratch_operands = 0 : i64, tpu.core_type = #tpu.core_type<tc>, window_params = [{transform_indices = @transform_0, window_bounds = array<i64: 2, 512, 128>}, {transform_indices = @transform_1, window_bounds = array<i64: 512, 128>}, {transform_indices = @transform_2, window_bounds = array<i64: 512, 1>}, {pipeline_mode = #tpu.pipeline_mode<synchronous>, transform_indices = @transform_3, window_bounds = array<i64: 1, 128>}, {transform_indices = @transform_4, window_bounds = array<i64: 512, 128>}, {pipeline_mode = #tpu.pipeline_mode<synchronous>, transform_indices = @transform_5, window_bounds = array<i64: 8, 128>}]} {
    %get3A = arith.constant 0 : index
    %get3A_0 = arith.constant 0 : index
    %get3A_1 = arith.constant 0 : index
    %get3A_2 = vector.load %arg1[%get3A, %get3A_0, %get3A_1] : memref<2x512x128xf32, #tpu.memory_space<vmem>>, vector<2x512x128xf32>
    %slice3A = vector.extract_strided_slice %get3A_2 {offsets = [0, 0, 0], sizes = [1, 512, 128], strides = [1, 1, 1]} : vector<2x512x128xf32> to vector<1x512x128xf32>
    %squeeze3A = vector.shape_cast %slice3A : vector<1x512x128xf32> to vector<512x128xf32>
    %slice3A_3 = vector.extract_strided_slice %get3A_2 {offsets = [1, 0, 0], sizes = [1, 512, 128], strides = [1, 1, 1]} : vector<2x512x128xf32> to vector<1x512x128xf32>
    %squeeze3A_4 = vector.shape_cast %slice3A_3 : vector<1x512x128xf32> to vector<512x128xf32>
    %add3A = arith.addf %squeeze3A, %squeeze3A_4 : vector<512x128xf32>
    %get3A_5 = arith.constant 0 : index
    %get3A_6 = arith.constant 0 : index
    %get3A_7 = vector.load %arg2[%get3A_5, %get3A_6] : memref<512x128xf32, #tpu.memory_space<vmem>>, vector<512x128xf32>
    %add3A_8 = arith.addf %add3A, %get3A_7 : vector<512x128xf32>
    %get3A_9 = arith.constant 0 : index
    %get3A_10 = arith.constant 0 : index
    %get3A_11 = vector.load %arg3[%get3A_9, %get3A_10] : memref<512x1xf32, #tpu.memory_space<vmem>>, vector<512x1xf32>
    %mul3A = vector.broadcast %get3A_11 : vector<512x1xf32> to vector<512x128xf32>
    %mul3A_12 = arith.mulf %add3A_8, %mul3A : vector<512x128xf32>
    %get3A_13 = arith.constant 0 : index
    %get3A_14 = arith.constant 0 : index
    %get3A_15 = vector.load %arg4[%get3A_13, %get3A_14] : memref<1x128xf32, #tpu.memory_space<vmem>>, vector<1x128xf32>
    %add3A_16 = vector.broadcast %get3A_15 : vector<1x128xf32> to vector<512x128xf32>
    %add3A_17 = arith.addf %mul3A_12, %add3A_16 : vector<512x128xf32>
    %iota3A = tpu.iota {dimensions = array<i32: 0>} : vector<512x1xi32>
    %mul3A_18 = arith.constant 512 : i32
    %mul3A_19 = arith.muli %arg0, %mul3A_18 : i32
    %add3A_20 = vector.broadcast %mul3A_19 : i32 to vector<512x1xi32>
    %add3A_21 = arith.addi %iota3A, %add3A_20 : vector<512x1xi32>
    %lt3A = arith.constant 10000 : i32
    %lt3A_22 = vector.broadcast %lt3A : i32 to vector<512x1xi32>
    %lt3A_23 = arith.cmpi slt, %add3A_21, %lt3A_22 : vector<512x1xi32>
    %jit3A = arith.constant 0.000000e+00 : f32
    %broadcast_in_dim3A = vector.shape_cast %lt3A_23 : vector<512x1xi1> to vector<512x1xi1>
    %broadcast_in_dim3A_24 = vector.broadcast %broadcast_in_dim3A : vector<512x1xi1> to vector<512x128xi1>
    %broadcast_in_dim3A_25 = vector.broadcast %jit3A : f32 to vector<512x128xf32>
    %select_n3A = arith.select %broadcast_in_dim3A_24, %add3A_17, %broadcast_in_dim3A_25 : vector<512x128xi1>, vector<512x128xf32>
    %reduce_sum3A = arith.constant dense<0.000000e+00> : vector<128xf32>
    %reduce_sum3A_26 = vector.multi_reduction <add>, %select_n3A, %reduce_sum3A [0] : vector<512x128xf32> to vector<128xf32>
    %broadcast_in_dim3A_27 = vector.shape_cast %reduce_sum3A_26 : vector<128xf32> to vector<1x128xf32>
    %mul3A_28 = arith.mulf %select_n3A, %select_n3A : vector<512x128xf32>
    %reduce_sum3A_29 = arith.constant dense<0.000000e+00> : vector<128xf32>
    %reduce_sum3A_30 = vector.multi_reduction <add>, %mul3A_28, %reduce_sum3A_29 [0] : vector<512x128xf32> to vector<128xf32>
    %broadcast_in_dim3A_31 = vector.shape_cast %reduce_sum3A_30 : vector<128xf32> to vector<1x128xf32>
    %swap3A = arith.constant 0 : index
    %swap3A_32 = arith.constant 0 : index
    %swap3A_33 = vector.load %arg5[%swap3A, %swap3A_32] : memref<512x128xf32, #tpu.memory_space<vmem>>, vector<512x128xf32>
    tpu.vector_store %arg5[%swap3A, %swap3A_32], %add3A_17 {strides = array<i32>} : memref<512x128xf32, #tpu.memory_space<vmem>>, vector<512x128xf32>,
    %eq3A = arith.constant 0 : i32
    %eq3A_34 = arith.cmpi eq, %arg0, %eq3A : i32
    %convert_element_type3A = arith.extui %eq3A_34 : i1 to i32
    %cond3A = arith.constant 0 : i32
    %cond3A_35 = arith.cmpi ne, %convert_element_type3A, %cond3A : i32
    scf.if %cond3A_35 {
      %broadcast_in_dim3A_50 = arith.constant 0.000000e+00 : f32
      %broadcast_in_dim3A_51 = vector.broadcast %broadcast_in_dim3A_50 : f32 to vector<8x128xf32>
      %swap3A_52 = arith.constant 0 : index
      %swap3A_53 = arith.constant 0 : index
      %swap3A_54 = vector.load %arg6[%swap3A_52, %swap3A_53] : memref<8x128xf32, #tpu.memory_space<vmem>>, vector<8x128xf32>
      tpu.vector_store %arg6[%swap3A_52, %swap3A_53], %broadcast_in_dim3A_51 {strides = array<i32>} : memref<8x128xf32, #tpu.memory_space<vmem>>, vector<8x128xf32>,
    } else {
    }
    %get3A_36 = arith.constant 0 : index
    %get3A_37 = arith.constant 0 : index
    %get3A_38 = vector.load %arg6[%get3A_36, %get3A_37] : memref<8x128xf32, #tpu.memory_space<vmem>>, vector<1x128xf32>
    %add3A_39 = arith.addf %get3A_38, %broadcast_in_dim3A_27 : vector<1x128xf32>
    %swap3A_40 = arith.constant 0 : index
    %swap3A_41 = arith.constant 0 : index
    %swap3A_42 = vector.load %arg6[%swap3A_40, %swap3A_41] : memref<8x128xf32, #tpu.memory_space<vmem>>, vector<1x128xf32>
    tpu.vector_store %arg6[%swap3A_40, %swap3A_41], %add3A_39 {strides = array<i32>} : memref<8x128xf32, #tpu.memory_space<vmem>>, vector<1x128xf32>,
    %get3A_43 = arith.constant 1 : index
    %get3A_44 = arith.constant 0 : index
    %get3A_45 = vector.load %arg6[%get3A_43, %get3A_44] : memref<8x128xf32, #tpu.memory_space<vmem>>, vector<1x128xf32>
    %add3A_46 = arith.addf %get3A_45, %broadcast_in_dim3A_31 : vector<1x128xf32>
    %swap3A_47 = arith.constant 1 : index
    %swap3A_48 = arith.constant 0 : index
    %swap3A_49 = vector.load %arg6[%swap3A_47, %swap3A_48] : memref<8x128xf32, #tpu.memory_space<vmem>>, vector<1x128xf32>
    tpu.vector_store %arg6[%swap3A_47, %swap3A_48], %add3A_46 {strides = array<i32>} : memref<8x128xf32, #tpu.memory_space<vmem>>, vector<1x128xf32>,
    return
  }
  func.func @transform_0(%arg0: i32) -> (i32, i32, i32) {
    %c0_i32 = arith.constant 0 : i32
    %c0_i32_0 = arith.constant 0 : i32
    %c0_i32_1 = arith.constant 0 : i32
    return %c0_i32, %arg0, %c0_i32_0 : i32, i32, i32
  }
  func.func @transform_1(%arg0: i32) -> (i32, i32) {
    %c0_i32 = arith.constant 0 : i32
    %c0_i32_0 = arith.constant 0 : i32
    return %arg0, %c0_i32 : i32, i32
  }
  func.func @transform_2(%arg0: i32) -> (i32, i32) {
    %c0_i32 = arith.constant 0 : i32
    %c0_i32_0 = arith.constant 0 : i32
    return %arg0, %c0_i32 : i32, i32
  }
  func.func @transform_3(%arg0: i32) -> (i32, i32) {
    %c0_i32 = arith.constant 0 : i32
    %c0_i32_0 = arith.constant 0 : i32
    %c0_i32_1 = arith.constant 0 : i32
    return %c0_i32, %c0_i32_0 : i32, i32
  }
  func.func @transform_4(%arg0: i32) -> (i32, i32) {
    %c0_i32 = arith.constant 0 : i32
    %c0_i32_0 = arith.constant 0 : i32
    return %arg0, %c0_i32 : i32, i32
  }
  func.func @transform_5(%arg0: i32) -> (i32, i32) {
    %c0_i32 = arith.constant 0 : i32
    %c0_i32_0 = arith.constant 0 : i32
    %c0_i32_1 = arith.constant 0 : i32
    return %c0_i32, %c0_i32_0 : i32, i32
  }
}

module attributes {stable_mosaic.version = 14 : i64} {
  func.func @_tcb_body(%arg0: i32, %arg1: memref<512x128xf32, #tpu.memory_space<vmem>>, %arg2: memref<8x128xf32, #tpu.memory_space<vmem>>, %arg3: memref<512x1xf32, #tpu.memory_space<vmem>>, %arg4: memref<1x128xf32, #tpu.memory_space<vmem>>, %arg5: memref<1x128xf32, #tpu.memory_space<vmem>>, %arg6: memref<128x128xf32, #tpu.memory_space<vmem>>, %arg7: memref<512x128xf32, #tpu.memory_space<vmem>>) attributes {dimension_semantics = [#tpu.dimension_semantics<arbitrary>], iteration_bounds = array<i64: 20>, scalar_prefetch = 0 : i64, scratch_operands = 0 : i64, tpu.core_type = #tpu.core_type<tc>, window_params = [{transform_indices = @transform_0, window_bounds = array<i64: 512, 128>}, {pipeline_mode = #tpu.pipeline_mode<synchronous>, transform_indices = @transform_1, window_bounds = array<i64: 8, 128>}, {transform_indices = @transform_2, window_bounds = array<i64: 512, 1>}, {pipeline_mode = #tpu.pipeline_mode<synchronous>, transform_indices = @transform_3, window_bounds = array<i64: 1, 128>}, {pipeline_mode = #tpu.pipeline_mode<synchronous>, transform_indices = @transform_4, window_bounds = array<i64: 1, 128>}, {pipeline_mode = #tpu.pipeline_mode<synchronous>, transform_indices = @transform_5, window_bounds = array<i64: 128, 128>}, {transform_indices = @transform_6, window_bounds = array<i64: 512, 128>}]} {
    %get3A = arith.constant 0 : index
    %get3A_0 = arith.constant 0 : index
    %get3A_1 = vector.load %arg2[%get3A, %get3A_0] : memref<8x128xf32, #tpu.memory_space<vmem>>, vector<8x128xf32>
    %slice3A = vector.extract_strided_slice %get3A_1 {offsets = [0, 0], sizes = [1, 128], strides = [1, 1]} : vector<8x128xf32> to vector<1x128xf32>
    %mul3A = arith.constant 9.99999974E-5 : f32
    %mul3A_2 = vector.broadcast %mul3A : f32 to vector<1x128xf32>
    %mul3A_3 = arith.mulf %slice3A, %mul3A_2 : vector<1x128xf32>
    %slice3A_4 = vector.extract_strided_slice %get3A_1 {offsets = [1, 0], sizes = [1, 128], strides = [1, 1]} : vector<8x128xf32> to vector<1x128xf32>
    %mul3A_5 = arith.constant 9.99999974E-5 : f32
    %mul3A_6 = vector.broadcast %mul3A_5 : f32 to vector<1x128xf32>
    %mul3A_7 = arith.mulf %slice3A_4, %mul3A_6 : vector<1x128xf32>
    %mul3A_8 = arith.mulf %mul3A_3, %mul3A_3 : vector<1x128xf32>
    %sub3A = arith.subf %mul3A_7, %mul3A_8 : vector<1x128xf32>
    %add3A = arith.constant 9.99999974E-6 : f32
    %add3A_9 = vector.broadcast %add3A : f32 to vector<1x128xf32>
    %add3A_10 = arith.addf %sub3A, %add3A_9 : vector<1x128xf32>
    %rsqrt3A = math.rsqrt %add3A_10 : vector<1x128xf32>
    %get3A_11 = arith.constant 0 : index
    %get3A_12 = arith.constant 0 : index
    %get3A_13 = vector.load %arg4[%get3A_11, %get3A_12] : memref<1x128xf32, #tpu.memory_space<vmem>>, vector<1x128xf32>
    %mul3A_14 = arith.mulf %rsqrt3A, %get3A_13 : vector<1x128xf32>
    %get3A_15 = arith.constant 0 : index
    %get3A_16 = arith.constant 0 : index
    %get3A_17 = vector.load %arg1[%get3A_15, %get3A_16] : memref<512x128xf32, #tpu.memory_space<vmem>>, vector<512x128xf32>
    %sub3A_18 = vector.broadcast %mul3A_3 : vector<1x128xf32> to vector<512x128xf32>
    %sub3A_19 = arith.subf %get3A_17, %sub3A_18 : vector<512x128xf32>
    %mul3A_20 = vector.broadcast %mul3A_14 : vector<1x128xf32> to vector<512x128xf32>
    %mul3A_21 = arith.mulf %sub3A_19, %mul3A_20 : vector<512x128xf32>
    %get3A_22 = arith.constant 0 : index
    %get3A_23 = arith.constant 0 : index
    %get3A_24 = vector.load %arg5[%get3A_22, %get3A_23] : memref<1x128xf32, #tpu.memory_space<vmem>>, vector<1x128xf32>
    %add3A_25 = vector.broadcast %get3A_24 : vector<1x128xf32> to vector<512x128xf32>
    %add3A_26 = arith.addf %mul3A_21, %add3A_25 : vector<512x128xf32>
    %max3A = arith.constant 0.000000e+00 : f32
    %max3A_27 = vector.broadcast %max3A : f32 to vector<512x128xf32>
    %max3A_28 = arith.maximumf %add3A_26, %max3A_27 : vector<512x128xf32>
    %get3A_29 = arith.constant 0 : index
    %get3A_30 = arith.constant 0 : index
    %get3A_31 = vector.load %arg6[%get3A_29, %get3A_30] : memref<128x128xf32, #tpu.memory_space<vmem>>, vector<128x128xf32>
    %dot_general3A = arith.constant dense<0.000000e+00> : vector<512x128xf32>
    %dot_general3A_32 = tpu.matmul %max3A_28, %get3A_31, %dot_general3A {dimension_numbers = #tpu.dot_dimension_numbers<[1], [0], [0], [1], [0, 0, 1, 1], [], []>, transpose_lhs_hint = false} : vector<512x128xf32>, vector<128x128xf32>, vector<512x128xf32> -> vector<512x128xf32>
    %get3A_33 = arith.constant 0 : index
    %get3A_34 = arith.constant 0 : index
    %get3A_35 = vector.load %arg3[%get3A_33, %get3A_34] : memref<512x1xf32, #tpu.memory_space<vmem>>, vector<512x1xf32>
    %mul3A_36 = vector.broadcast %get3A_35 : vector<512x1xf32> to vector<512x128xf32>
    %mul3A_37 = arith.mulf %dot_general3A_32, %mul3A_36 : vector<512x128xf32>
    %swap3A = arith.constant 0 : index
    %swap3A_38 = arith.constant 0 : index
    %swap3A_39 = vector.load %arg7[%swap3A, %swap3A_38] : memref<512x128xf32, #tpu.memory_space<vmem>>, vector<512x128xf32>
    tpu.vector_store %arg7[%swap3A, %swap3A_38], %mul3A_37 {strides = array<i32>} : memref<512x128xf32, #tpu.memory_space<vmem>>, vector<512x128xf32>,
    return
  }
  func.func @transform_0(%arg0: i32) -> (i32, i32) {
    %c0_i32 = arith.constant 0 : i32
    %c0_i32_0 = arith.constant 0 : i32
    return %arg0, %c0_i32 : i32, i32
  }
  func.func @transform_1(%arg0: i32) -> (i32, i32) {
    %c0_i32 = arith.constant 0 : i32
    %c0_i32_0 = arith.constant 0 : i32
    %c0_i32_1 = arith.constant 0 : i32
    return %c0_i32, %c0_i32_0 : i32, i32
  }
  func.func @transform_2(%arg0: i32) -> (i32, i32) {
    %c0_i32 = arith.constant 0 : i32
    %c0_i32_0 = arith.constant 0 : i32
    return %arg0, %c0_i32 : i32, i32
  }
  func.func @transform_3(%arg0: i32) -> (i32, i32) {
    %c0_i32 = arith.constant 0 : i32
    %c0_i32_0 = arith.constant 0 : i32
    %c0_i32_1 = arith.constant 0 : i32
    return %c0_i32, %c0_i32_0 : i32, i32
  }
  func.func @transform_4(%arg0: i32) -> (i32, i32) {
    %c0_i32 = arith.constant 0 : i32
    %c0_i32_0 = arith.constant 0 : i32
    %c0_i32_1 = arith.constant 0 : i32
    return %c0_i32, %c0_i32_0 : i32, i32
  }
  func.func @transform_5(%arg0: i32) -> (i32, i32) {
    %c0_i32 = arith.constant 0 : i32
    %c0_i32_0 = arith.constant 0 : i32
    %c0_i32_1 = arith.constant 0 : i32
    return %c0_i32, %c0_i32_0 : i32, i32
  }
  func.func @transform_6(%arg0: i32) -> (i32, i32) {
    %c0_i32 = arith.constant 0 : i32
    %c0_i32_0 = arith.constant 0 : i32
    return %arg0, %c0_i32 : i32, i32
  }
}

module attributes {stable_mosaic.version = 14 : i64} {
  func.func @_tc_final_body(%arg0: i32, %arg1: memref<2x512x128xf32, #tpu.memory_space<vmem>>, %arg2: memref<512x128xf32, #tpu.memory_space<vmem>>, %arg3: memref<512x1xf32, #tpu.memory_space<vmem>>, %arg4: memref<1x128xf32, #tpu.memory_space<vmem>>, %arg5: memref<512x128xf32, #tpu.memory_space<vmem>>) attributes {dimension_semantics = [#tpu.dimension_semantics<arbitrary>], iteration_bounds = array<i64: 20>, scalar_prefetch = 0 : i64, scratch_operands = 0 : i64, tpu.core_type = #tpu.core_type<tc>, window_params = [{transform_indices = @transform_0, window_bounds = array<i64: 2, 512, 128>}, {transform_indices = @transform_1, window_bounds = array<i64: 512, 128>}, {transform_indices = @transform_2, window_bounds = array<i64: 512, 1>}, {pipeline_mode = #tpu.pipeline_mode<synchronous>, transform_indices = @transform_3, window_bounds = array<i64: 1, 128>}, {transform_indices = @transform_4, window_bounds = array<i64: 512, 128>}]} {
    %get3A = arith.constant 0 : index
    %get3A_0 = arith.constant 0 : index
    %get3A_1 = arith.constant 0 : index
    %get3A_2 = vector.load %arg1[%get3A, %get3A_0, %get3A_1] : memref<2x512x128xf32, #tpu.memory_space<vmem>>, vector<2x512x128xf32>
    %slice3A = vector.extract_strided_slice %get3A_2 {offsets = [0, 0, 0], sizes = [1, 512, 128], strides = [1, 1, 1]} : vector<2x512x128xf32> to vector<1x512x128xf32>
    %squeeze3A = vector.shape_cast %slice3A : vector<1x512x128xf32> to vector<512x128xf32>
    %slice3A_3 = vector.extract_strided_slice %get3A_2 {offsets = [1, 0, 0], sizes = [1, 512, 128], strides = [1, 1, 1]} : vector<2x512x128xf32> to vector<1x512x128xf32>
    %squeeze3A_4 = vector.shape_cast %slice3A_3 : vector<1x512x128xf32> to vector<512x128xf32>
    %add3A = arith.addf %squeeze3A, %squeeze3A_4 : vector<512x128xf32>
    %get3A_5 = arith.constant 0 : index
    %get3A_6 = arith.constant 0 : index
    %get3A_7 = vector.load %arg2[%get3A_5, %get3A_6] : memref<512x128xf32, #tpu.memory_space<vmem>>, vector<512x128xf32>
    %add3A_8 = arith.addf %add3A, %get3A_7 : vector<512x128xf32>
    %get3A_9 = arith.constant 0 : index
    %get3A_10 = arith.constant 0 : index
    %get3A_11 = vector.load %arg3[%get3A_9, %get3A_10] : memref<512x1xf32, #tpu.memory_space<vmem>>, vector<512x1xf32>
    %mul3A = vector.broadcast %get3A_11 : vector<512x1xf32> to vector<512x128xf32>
    %mul3A_12 = arith.mulf %add3A_8, %mul3A : vector<512x128xf32>
    %get3A_13 = arith.constant 0 : index
    %get3A_14 = arith.constant 0 : index
    %get3A_15 = vector.load %arg4[%get3A_13, %get3A_14] : memref<1x128xf32, #tpu.memory_space<vmem>>, vector<1x128xf32>
    %add3A_16 = vector.broadcast %get3A_15 : vector<1x128xf32> to vector<512x128xf32>
    %add3A_17 = arith.addf %mul3A_12, %add3A_16 : vector<512x128xf32>
    %swap3A = arith.constant 0 : index
    %swap3A_18 = arith.constant 0 : index
    %swap3A_19 = vector.load %arg5[%swap3A, %swap3A_18] : memref<512x128xf32, #tpu.memory_space<vmem>>, vector<512x128xf32>
    tpu.vector_store %arg5[%swap3A, %swap3A_18], %add3A_17 {strides = array<i32>} : memref<512x128xf32, #tpu.memory_space<vmem>>, vector<512x128xf32>,
    return
  }
  func.func @transform_0(%arg0: i32) -> (i32, i32, i32) {
    %c0_i32 = arith.constant 0 : i32
    %c0_i32_0 = arith.constant 0 : i32
    %c0_i32_1 = arith.constant 0 : i32
    return %c0_i32, %arg0, %c0_i32_0 : i32, i32, i32
  }
  func.func @transform_1(%arg0: i32) -> (i32, i32) {
    %c0_i32 = arith.constant 0 : i32
    %c0_i32_0 = arith.constant 0 : i32
    return %arg0, %c0_i32 : i32, i32
  }
  func.func @transform_2(%arg0: i32) -> (i32, i32) {
    %c0_i32 = arith.constant 0 : i32
    %c0_i32_0 = arith.constant 0 : i32
    return %arg0, %c0_i32 : i32, i32
  }
  func.func @transform_3(%arg0: i32) -> (i32, i32) {
    %c0_i32 = arith.constant 0 : i32
    %c0_i32_0 = arith.constant 0 : i32
    %c0_i32_1 = arith.constant 0 : i32
    return %c0_i32, %c0_i32_0 : i32, i32
  }
  func.func @transform_4(%arg0: i32) -> (i32, i32) {
    %c0_i32 = arith.constant 0 : i32
    %c0_i32_0 = arith.constant 0 : i32
    return %arg0, %c0_i32 : i32, i32
  }
}

</mosaic_0001>

<sc_bundles>
// kernel: kernel.12.cloned.1.call-start
scs
__scs_entry_jumppad:
0x0: {  	(pc) =	sbr.rel $0x88, $3  }
0x1: {  	(tag) =	ssettag $0x0;
	lr =	simm.s32 $0x1  }
0x2: {  	[smem:$0x3F95] =	sst lr;
	_ =	strace $0xD0000000  }
0x3: {  	_ = 	snop  }
0x4: {  	_ = 	snop  }
0x5: {  	_ = 	snop  }
0x6: {  	_ = 	snop  }
0x7: {  	_ = 	snop  }
__scs_overlays_trampoline_lowered:
0x8: {  	[smem:$0x3FA4] =	sst s0  }
0x9: {  	[smem:$0x3FA5] =	sst s1  }
0xa: {  	[smem:$0x3FA6] =	sst s2  }
0xb: {  	[smem:$0x3FA7] =	sst s3  }
0xc: {  	[smem:$0x3FA8] =	sst s4  }
0xd: {  	[smem:$0x3FA9] =	sst s5  }
0xe: {  	[smem:$0x3FAA] =	sst s6  }
0xf: {  	[smem:$0x3FAB] =	sst s7  }
0x10: {  	[smem:$0x3FAC] =	sst s8  }
0x11: {  	[smem:$0x3FAD] =	sst s9;
	s0 =	simm.s32 @!p0 $0x0  }
0x12: {  	s1 =	sld [smem:$0x3F93];
	s0 =	simm.s32 @p0 $0x1  }
0x13: {  	[smem:$0x3FAE] =	sst s0;
	s0 =	simm.s32 @!p1 $0x0  }
0x14: {  	s2 =	sld [smem:$0x3F92];
	s0 =	simm.s32 @p1 $0x1  }
0x15: {  	[smem:$0x3FAF] =	sst s0;
	s0 =	simm.s32 @!p2 $0x0  }
0x16: {  	s3 =	sld [smem:$0x3FDB];
	s0 =	simm.s32 @p2 $0x1  }
0x17: {  	s4 =	simm.s32 $0x1BF5;
	[smem:$0x3FB1] =	sst s0  }
0x18: {  	s0 =	sld [smem:$0x3F94];
	_ =	swait.ge [sflag:s4], $0x0  }
0x19: {  	s7 =	sld [smem:$0x3F95]  }
0x1a: {  	s8 =	sadd.s32 $0xFFFFE003, lr  }
0x1b: {  	s9 =	sadd.s32 $0xFFFFFEF7, lr;
	s5 =	simm.s32 $0xFFFFFFFF;
	p2 =	slt.u32 s8, $0xFFFFF086  }
0x1c: {  	p1 =	slt.u32 s9, $0xF7A;
	s5 =	simm.s32 @!p2 $0x0  }
0x1d: {  	s5 =	simm.s32 @p1 $0x1;
	p0 =	seq.s32 s7, s2  }
0x1e: {  	s7 =	smul.u32 @!p0 $0xF7A, s2;
	p2 =	seq.s32 @!p0 s5, $0x0  }
0x1f: {  	s9 =	smul.u32 $0xF7A, s1;
	s8 =	simm.s32 @!p0 $0x1BF5;
	p2 =	por !p2, p0  }
0x20: {  	[sflag:s8] =	ssyncset.s32 @!p0 $0xFFFFF086;
	s6 =	sadd.s32 @!p0 s3, s7;
	s7 =	simm.s32 @!p0 $0x108  }
0x21: {  	s3 =	sadd.s32 s3, s9;
	s6 =	sadd.s32 @!p0 $0x88, s6;
	s7 =	simm.s32 @p2 $0x1082  }
0x22: {  	[simem:s7], [sflag:s8] =	dma.local @!p0 [hbm:s6], $0xF7A  }
0x23: {  	s9 =	sor.u32 $0xD0000000, s2;
	s6 =	simm.s32 $0x108;
	_ =	swait.ge @!p0 [sflag:s8], $0x0  }
0x24: {  	s3 =	sadd.s32 $0x88, s3;
	s6 =	simm.s32 @!p1 $0x1082;
	[sflag:s4] =	ssyncset.s32 $0xFFFFF086  }
0x25: {  	[simem:s6], [sflag:s4] =	dma.local [hbm:s3], $0xF7A  }
0x26: {  	[smem:$0x3F95] =	sst s1;
	(tag) =	ssettag s2;
	_ =	strace s9  }
0x27: {  	s1 =	sld [smem:$0x3FA5]  }
0x28: {  	s2 =	sld [smem:$0x3FA6]  }
0x29: {  	s4 =	sld [smem:$0x3FA8]  }
0x2a: {  	p0 =	seq.s32 s5, $0x0;
	s5 =	sld [smem:$0x3FA9]  }
0x2b: {  	s6 =	sld [smem:$0x3FAA]  }
0x2c: {  	s7 =	sld [smem:$0x3FAB]  }
0x2d: {  	s3 =	simm.s32 $0x108;
	s8 =	sld [smem:$0x3FAC]  }
0x2e: {  	s3 =	simm.s32 @!p0 $0x1082;
	s9 =	sld [smem:$0x3FAD]  }
0x2f: {  	lr =	sadd.s32 s0, s3;
	s0 =	sld [smem:$0x3FA4]  }
0x30: {  	s3 =	sld [smem:$0x3FA7]  }
0x31: {  	[smem:$0x3FB0] =	sst s10  }
0x32: {  	s10 =	sld [smem:$0x3FAE];
	_ =	sdelay $0x3  }
0x33: {  	p0 =	seq.s32 s10, $0x1;
	s10 =	sld [smem:$0x3FB0];
	_ =	sdelay $0x3  }
0x34: {  	[smem:$0x3FB0] =	sst s10  }
0x35: {  	s10 =	sld [smem:$0x3FAF];
	_ =	sdelay $0x3  }
0x36: {  	p1 =	seq.s32 s10, $0x1;
	s10 =	sld [smem:$0x3FB0];
	_ =	sdelay $0x3  }
0x37: {  	[smem:$0x3FB0] =	sst s10  }
0x38: {  	s10 =	sld [smem:$0x3FB1]  }
0x39: {  	_ = 	snop;
	(pc) =	sbr.ind lr, $3  }
0x3a: {  	_ = 	snop  }
0x3b: {  	_ = 	snop  }
0x3c: {  	p2 =	seq.s32 s10, $0x1;
	s10 =	sld [smem:$0x3FB0]  }
0x3d: {  	_ =	shalt  }
0x3e: {  	_ =	shalt  }
0x3f: {  	_ =	shalt  }
0x40: {  	_ =	shalt  }
0x41: {  	_ =	shalt  }
0x42: {  	_ =	shalt  }
0x43: {  	_ =	shalt  }
0x44: {  	_ =	shalt  }
0x45: {  	_ =	shalt  }
0x46: {  	_ =	shalt  }
0x47: {  	_ =	shalt  }
0x48: {  	_ =	shalt  }
0x49: {  	_ =	shalt  }
0x4a: {  	_ =	shalt  }
0x4b: {  	_ =	shalt  }
0x4c: {  	_ =	shalt  }
0x4d: {  	_ =	shalt  }
0x4e: {  	_ =	shalt  }
0x4f: {  	_ =	shalt  }
0x50: {  	_ =	shalt  }
0x51: {  	_ =	shalt  }
0x52: {  	_ =	shalt  }
0x53: {  	_ =	shalt  }
0x54: {  	_ =	shalt  }
0x55: {  	_ =	shalt  }
0x56: {  	_ =	shalt  }
0x57: {  	_ =	shalt  }
0x58: {  	_ =	shalt  }
0x59: {  	_ =	shalt  }
0x5a: {  	_ =	shalt  }
0x5b: {  	_ =	shalt  }
0x5c: {  	_ =	shalt  }
0x5d: {  	_ =	shalt  }
0x5e: {  	_ =	shalt  }
0x5f: {  	_ =	shalt  }
0x60: {  	_ =	shalt  }
0x61: {  	_ =	shalt  }
0x62: {  	_ =	shalt  }
0x63: {  	_ =	shalt  }
0x64: {  	_ =	shalt  }
0x65: {  	_ =	shalt  }
0x66: {  	_ =	shalt  }
0x67: {  	_ =	shalt  }
0x68: {  	_ =	shalt  }
0x69: {  	_ =	shalt  }
0x6a: {  	_ =	shalt  }
0x6b: {  	_ =	shalt  }
0x6c: {  	_ =	shalt  }
0x6d: {  	_ =	shalt  }
0x6e: {  	_ =	shalt  }
0x6f: {  	_ =	shalt  }
0x70: {  	_ =	shalt  }
0x71: {  	_ =	shalt  }
0x72: {  	_ =	shalt  }
0x73: {  	_ =	shalt  }
0x74: {  	_ =	shalt  }
0x75: {  	_ =	shalt  }
0x76: {  	_ =	shalt  }
0x77: {  	_ =	shalt  }
0x78: {  	_ =	shalt  }
0x79: {  	_ =	shalt  }
0x7a: {  	_ =	shalt  }
0x7b: {  	_ =	shalt  }
0x7c: {  	_ =	shalt  }
0x7d: {  	_ =	shalt  }
0x7e: {  	_ =	shalt  }
0x7f: {  	_ =	shalt  }
0x80: {  	_ =	shalt  }
0x81: {  	_ =	shalt  }
0x82: {  	_ =	shalt  }
0x83: {  	_ =	shalt  }
0x84: {  	_ =	shalt  }
0x85: {  	_ =	shalt  }
0x86: {  	_ =	shalt  }
0x87: {  	_ =	shalt  }
.Lfunc_end0:
.L_simem_size_0:
called_computation_lowered:
.L_overlay_start_0:
0x88: {  	s2 =	sld [smem:$0x3FD9]  }
0x89: {  	s3 =	sld [smem:$0x3FFE];
	_ =	sdelay $0x1  }
0x8a: {  	s1 =	srdreg.scid  }
0x8b: {  	s0 =	sand.u32 $0x1, s1  }
0x8c: {  	s16 =	sshll.u32 s0, $0xA;
	s2 =	sadd.s32 s3, s2  }
0x8d: {  	s2 =	sadd.s32 s2, s16  }
0x8e: {  	[smem:$0x3FBC] =	sst s2  }
0x8f: {  	_ = 	snop  }
0x90: {  	(tm) =	ssettm $0x1  }
0x91: {  	s17 =	sld [smem:$0x3FFB];
	_ =	sdelay $0x3  }
0x92: {  	_ =	strace s17  }
0x93: {  	s2 =	sld [smem:$0x3FFC];
	_ =	sdelay $0x3  }
0x94: {  	_ =	strace s2  }
0x95: {  	s2 =	sld [smem:$0x3FFD];
	_ =	sdelay $0x3  }
0x96: {  	_ =	strace s2  }
0x97: {  	_ =	strace $0x8FFFFFFF  }
0x98: {  	s18 =	sld [smem:$0x3FDB];
	_ =	sdelay $0x1  }
0x99: {  	s19 =	simm.s32 $_scs_section_size  }
0x9a: {  	s4 =	simm.s32 $_size__tile_overlayer_lowered;
	s5 =	simm.s32 $_tile_overlayer_lowered  }
0x9b: {  	s22 =	simm.s32 $0x1BFF;
	s21 =	sshll.u32 s5, $0x1;
	s2 =	sadd.s32 s19, s18  }
0x9c: {  	s6 =	simm.s32 $0x0;
	s20 =	sshll.u32 s4, $0x1;
	s4 =	sadd.s32 s21, s2  }
0x9d: {  	[timem:s6], [sflag:s22] =	dma.local [hbm:s4], s20  }
0x9e: {  	_ =	swait.ge [sflag:s22], s20  }
0x9f: {  	s3 =	ssub.s32 $0x0, s20;
	[sflag:s22] =	ssyncset.done $0x0  }
0xa0: {  	[sflag:s22] =	ssyncadd.s32 s3;
	_ =	sdelay $0x1  }
0xa1: {  	s23 =	simm.s32 $0x1B8B  }
0xa2: {  	_ =	swait.ge [sflag:s23], $0x1  }
0xa3: {  	[sflag:s23] =	ssyncset.done $0x0  }
0xa4: {  	s25 =	simm.s32 $0x1B8E;
	s24 =	sld [smem:$0x3FFE];
	[sflag:s23] =	ssyncadd.s32 $0xFFFFFFFF  }
0xa5: {  	s26 =	simm.s32 $execute0_lowered;
	[smem:$0x3FD2] =	sst s25  }
0xa6: {  	s4 =	sshll.u32 s26, $0x1;
	_ =	strace $0x80000046;
	[dreg:$0x1] =	wrdreg $0xFFFFFFFF  }
0xa7: {  	s28 =	simm.s32 $_size_execute0_lowered;
	s2 =	sadd.s32 s2, s4;
	[dreg:$0x0] =	wrdreg $0x0  }
0xa8: {  	s4 =	sshll.u32 s28, $0x1;
	[dreg:$0x2] =	wrdreg s2  }
0xa9: {  	[dreg:$0x3] =	wrdreg s4  }
0xaa: {  	[dreg:$0x4] =	wrdreg $0xC0  }
0xab: {  	_ =	task [dreg:s6], $0x5FFFF  }
0xac: {  	[dreg:$0x1] =	wrdreg $0xFFFFFFFF  }
0xad: {  	[dreg:$0x0] =	wrdreg $0x60  }
0xae: {  	[dreg:$0x2] =	wrdreg s24  }
0xaf: {  	[dreg:$0x3] =	wrdreg $0x68000  }
0xb0: {  	[dreg:$0x4] =	wrdreg $0x9  }
0xb1: {  	_ =	task.clear_ibuf [dreg:s6], $0x5FFFF;
	_ =	strace $0x90000046  }
0xb2: {  	s29 =	simm.s32 $0x9;
	_ =	strace $0x80000048  }
0xb3: {  	_ =	swait.ge [sflag:s29], $0x1  }
0xb4: {  	[sflag:s29] =	ssyncadd.s32 $0xFFFFFFFF  }
0xb5: {  	_ =	strace $0x90000048  }
0xb6: {  	_ =	sfence  }
0xb7: {  	s30 =	sld [smem:$0x0];
	_ =	sdelay $0x2  }
0xb8: {  	s31 =	sshll.u32 s1, $0xD;
	s1 =	sshrl.u32 s1, $0x2  }
0xb9: {  	s3 =	sand.u32 $0x4000, s31;
	s1 =	sadd.s32 s1, s30  }
0xba: {  	s0 =	sor.u32 s3, s0;
	s1 =	sshll.u32 s1, $0x11  }
0xbb: {  	s0 =	sor.u32 s1, s0  }
0xbc: {  	s0 =	sadd.s32 $0x8F2B, s0  }
0xbd: {  	[sflag:s0] =	ssyncadd.remote.s32 $0x1  }
0xbe: {  	_ =	sfence.sel $0xFFFF  }
0xbf: {  	[dreg:$0x0] =	wrdreg $0xFFFFFFFF;
	(pc) =	sbr.abs _section_cstart, $3  }
0xc0: {  	[dreg:$0x1] =	wrdreg $0xFFFFFFFF  }
0xc1: {  	_ =	task.clear_ibuf [dreg:s6], $0x2FFFF;
	_ =	strace $0x9FFFFFFF  }
0xc2: {  	(tm) =	ssettm $0x7FFFFFFF  }
0xc3: {  	_ =	shalt  }
tec
execute0_lowered:
.L_overlay_start_1:
0x0: {  	(tag) =	ssettag $0x1  }
0x1: {  	s1 =	srdreg.scid  }
0x2: {  	s0 =	stileid.u32;
	s5 =	rddreg [dreg:$0x0]  }
0x3: {  	s2 =	rddreg [dreg:$0x1];
	s3 =	simm.s32 $0x0;
	s13 =	simm.s32 $0x80  }
0x4: {  	s14 =	simm.s32 $0x0;
	s6 =	sand.u32 $0x1, s1;
	s1 =	rddreg [dreg:$0x2]  }
0x5: {  	s28 =	sshll.u32 s0, $0x1;
	[smem:$0x7FF] =	sst s3;
	s7 =	smul.u32 $0x2800, s0  }
0x6: {  	s10 =	smul.u32 $0x50000, s0;
	s31 =	sshll.u32 s0, $0x6;
	s4 =	sor.u32 s6, s28  }
0x7: {  	_ =	strace $0x80000047;
	s9 =	smul.u32 $0x28000, s6;
	s6 =	ssub.s32 $0x2, s6  }
0x8: {  	s4 =	smul.u32 $0x500, s4;
	s11 =	sadd.s32 s7, s5;
	s29 =	sshrl.u32 s6, $0x1  }
0x9: {  	s30 =	sshrl.u32 s10, $0x2;
	s7 =	sadd.s32 s7, s9;
	s9 =	ssub.s32 s6, s29  }
0xa: {  	s10 =	sadd.s32 s30, s2;
	s6 =	sor.u32 $0x1C01, s31;
	s8 =	sadd.s32 s4, s5  }
0xb: {  	s4 =	sadd.s32 $0xD600, s5;
	s12 =	sadd.s32 s7, s5;
	s5 =	sadd.s32 $0xDE00, s11  }
0xc: {  	s9 =	smax.u32 s9, $0x1;
	s10 =	sshrl.u32 s10, $0x3;
	s11 =	simm.s32 $0x1  }
0xd: {  	s7 =	sadd.s32 $0x3600, s8;
	s8 =	sadd.s32 $0x35E00, s12;
	s12 =	simm.s32 $0x2800  }
.LBB2_1:
0xe: {  	[spmem:s10], [sflag:s6] =	dma.local [hbm:s5], $0x2800  }
0xf: {  	_ =	swait.ge [sflag:s11], $0x2800  }
0x10: {  	[sflag:s11] =	ssyncset.done $0x0  }
0x11: {  	[sflag:s11] =	ssyncadd.s32 $0xFFFFD800  }
0x12: {  	[tilespmem:s12], [sflag:$0x1] =	stream.linear.gather [hbm4b:s4+s3], $0x4000, $0x38;
	[tilespmem:$0x1A800] =	vst v63  }
0x13: {  	_ =	swait.ge [sflag:s11], $0x4000  }
0x14: {  	[sflag:s11] =	ssyncset.done $0x0  }
0x15: {  	[sflag:s11] =	ssyncadd.s32 $0xFFFFC000  }
0x16: {  	[tilespmem:s3], [sflag:$0x1] =	stream.linear.gather [hbm4b:s7+s3], $0x2780, $0x38;
	[tilespmem:$0x1A800] =	vst v63  }
0x17: {  	_ =	swait.ge [sflag:s11], $0x2780  }
0x18: {  	[sflag:s11] =	ssyncset.done $0x0  }
0x19: {  	[sflag:s11] =	ssyncadd.s32 $0xFFFFD880  }
0x1a: {  	s15 =	simm.s32 $0x0;
	[bflag:$0x0] =	sbarrier.arrive $0xFFFF  }
0x1b: {  	[spmem:s2] =	stream.indirect.scatter.add.f32 [tilespmem:s12], [sflag:$0x1], $0x80, s15, s13, $0xb8;
	[tilespmem:$0x1A800] =	vst v63  }
0x1c: {  	_ =	swait.ge [sflag:s11], $0x4000  }
0x1d: {  	s15 =	simm.s32 $0x200;
	[sflag:s11] =	ssyncset.done $0x0  }
.LBB2_2:
0x1e: {  	s16 =	sshra.s32 s15, $0x2;
	[sflag:s11] =	ssyncadd.s32 $0xFFFFC000;
	p0 =	sne.s32 s15, $0x9C00  }
0x1f: {  	[spmem:s2] =	stream.indirect.scatter.add.f32 [tilespmem:s12], [sflag:$0x1], $0x80, s16, s13, $0xb8;
	[tilespmem:$0x1A800] =	vst v63  }
.Ltmp0:
0x20: {  	_ = 	snop;
	(pc) =	sbr.rel @p0 .LBB2_2-.Ltmp0, $4  }
0x21: {  	_ = 	snop  }
0x22: {  	s15 =	sadd.s32 $0x200, s15  }
0x23: {  	_ =	swait.ge [sflag:s11], $0x4000  }
0x24: {  	[sflag:s11] =	ssyncset.done $0x0  }
0x25: {  	s14 =	sadd.s32 $0x1, s14  }
0x26: {  	[sflag:s11] =	ssyncadd.s32 $0xFFFFC000;
	p0 =	sne.s32 s14, s9  }
.Ltmp1:
0x27: {  	[bflag:$0x0] =	sbarrier.arrive $0xFFFF;
	(pc) =	sbr.rel @p0 .LBB2_1-.Ltmp1, $4  }
0x28: {  	[hbm:s8], [sflag:s6] =	dma.local [spmem:s10], $0x2800  }
0x29: {  	_ =	swait.ge [sflag:s11], $0x2800  }
0x2a: {  	[sflag:s11] =	ssyncset.done $0x0  }
0x2b: {  	[sflag:s11] =	ssyncadd.s32 $0xFFFFD800  }
0x2c: {  	_ =	sfence.sel $0x180000  }
0x2d: {  	[bflag:$0x0] =	sbarrier.arrive $0xFFFF  }
0x2e: {  	p0 =	sne.s32 s0, $0x0;
	_ =	strace $0x90000047  }
0x2f: {  	s0 =	sadd.s32 @!p0 $0x100000, s1;
	[bflag:$0x2] =	sbarrier.arrive $0xFFFF  }
0x30: {  	[sflag:s0] =	ssyncadd.tile.s32 @!p0 $0x1;
	_ =	shalt  }
.Lfunc_end2:
_tile_overlayer_lowered:
.L_overlay_start_2:
0x31: {  	(tag) =	ssettag $0x2  }
0x32: {  	s0 =	rddreg [dreg:$0x0];
	s2 =	stileid.u32  }
0x33: {  	s1 =	rddreg [dreg:$0x1];
	p0 =	sne.s32 s2, $0x0  }
0x34: {  	s3 =	rddreg [dreg:$0x2];
	[bflag:$0x3] =	sbarrier.arrive $0xFFFF;
	s2 =	simm.s32 @!p0 $0x1C01  }
0x35: {  	[timem:s3], [sflag:s2] =	dma.local @!p0 [hbm:s0], s1  }
0x36: {  	s0 =	simm.s32 @!p0 $0x1  }
0x37: {  	_ =	swait.ge @!p0 [sflag:s0], s1  }
0x38: {  	s1 =	ssub.s32 @!p0 $0x0, s1;
	[sflag:s0] =	ssyncset.done @!p0 $0x0  }
0x39: {  	[sflag:s0] =	ssyncadd.s32 @!p0 s1  }
0x3a: {  	[bflag:$0x3] =	sbarrier.arrive $0xFFFF  }
0x3b: {  	_ =	shalt  }

// kernel: kernel.15.cloned.1.call-start
scs
__scs_entry_jumppad:
0x0: {  	(pc) =	sbr.rel $0x88, $3  }
0x1: {  	(tag) =	ssettag $0x0;
	lr =	simm.s32 $0x1  }
0x2: {  	[smem:$0x3F95] =	sst lr;
	_ =	strace $0xD0000000  }
0x3: {  	_ = 	snop  }
0x4: {  	_ = 	snop  }
0x5: {  	_ = 	snop  }
0x6: {  	_ = 	snop  }
0x7: {  	_ = 	snop  }
__scs_overlays_trampoline_lowered:
0x8: {  	[smem:$0x3FA4] =	sst s0  }
0x9: {  	[smem:$0x3FA5] =	sst s1  }
0xa: {  	[smem:$0x3FA6] =	sst s2  }
0xb: {  	[smem:$0x3FA7] =	sst s3  }
0xc: {  	[smem:$0x3FA8] =	sst s4  }
0xd: {  	[smem:$0x3FA9] =	sst s5  }
0xe: {  	[smem:$0x3FAA] =	sst s6  }
0xf: {  	[smem:$0x3FAB] =	sst s7  }
0x10: {  	[smem:$0x3FAC] =	sst s8  }
0x11: {  	[smem:$0x3FAD] =	sst s9;
	s0 =	simm.s32 @!p0 $0x0  }
0x12: {  	s1 =	sld [smem:$0x3F93];
	s0 =	simm.s32 @p0 $0x1  }
0x13: {  	[smem:$0x3FAE] =	sst s0;
	s0 =	simm.s32 @!p1 $0x0  }
0x14: {  	s2 =	sld [smem:$0x3F92];
	s0 =	simm.s32 @p1 $0x1  }
0x15: {  	[smem:$0x3FAF] =	sst s0;
	s0 =	simm.s32 @!p2 $0x0  }
0x16: {  	s3 =	sld [smem:$0x3FDB];
	s0 =	simm.s32 @p2 $0x1  }
0x17: {  	s4 =	simm.s32 $0x1BF5;
	[smem:$0x3FB1] =	sst s0  }
0x18: {  	s0 =	sld [smem:$0x3F94];
	_ =	swait.ge [sflag:s4], $0x0  }
0x19: {  	s7 =	sld [smem:$0x3F95]  }
0x1a: {  	s8 =	sadd.s32 $0xFFFFE003, lr  }
0x1b: {  	s9 =	sadd.s32 $0xFFFFFEF7, lr;
	s5 =	simm.s32 $0xFFFFFFFF;
	p2 =	slt.u32 s8, $0xFFFFF086  }
0x1c: {  	p1 =	slt.u32 s9, $0xF7A;
	s5 =	simm.s32 @!p2 $0x0  }
0x1d: {  	s5 =	simm.s32 @p1 $0x1;
	p0 =	seq.s32 s7, s2  }
0x1e: {  	s7 =	smul.u32 @!p0 $0xF7A, s2;
	p2 =	seq.s32 @!p0 s5, $0x0  }
0x1f: {  	s9 =	smul.u32 $0xF7A, s1;
	s8 =	simm.s32 @!p0 $0x1BF5;
	p2 =	por !p2, p0  }
0x20: {  	[sflag:s8] =	ssyncset.s32 @!p0 $0xFFFFF086;
	s6 =	sadd.s32 @!p0 s3, s7;
	s7 =	simm.s32 @!p0 $0x108  }
0x21: {  	s3 =	sadd.s32 s3, s9;
	s6 =	sadd.s32 @!p0 $0x88, s6;
	s7 =	simm.s32 @p2 $0x1082  }
0x22: {  	[simem:s7], [sflag:s8] =	dma.local @!p0 [hbm:s6], $0xF7A  }
0x23: {  	s9 =	sor.u32 $0xD0000000, s2;
	s6 =	simm.s32 $0x108;
	_ =	swait.ge @!p0 [sflag:s8], $0x0  }
0x24: {  	s3 =	sadd.s32 $0x88, s3;
	s6 =	simm.s32 @!p1 $0x1082;
	[sflag:s4] =	ssyncset.s32 $0xFFFFF086  }
0x25: {  	[simem:s6], [sflag:s4] =	dma.local [hbm:s3], $0xF7A  }
0x26: {  	[smem:$0x3F95] =	sst s1;
	(tag) =	ssettag s2;
	_ =	strace s9  }
0x27: {  	s1 =	sld [smem:$0x3FA5]  }
0x28: {  	s2 =	sld [smem:$0x3FA6]  }
0x29: {  	s4 =	sld [smem:$0x3FA8]  }
0x2a: {  	p0 =	seq.s32 s5, $0x0;
	s5 =	sld [smem:$0x3FA9]  }
0x2b: {  	s6 =	sld [smem:$0x3FAA]  }
0x2c: {  	s7 =	sld [smem:$0x3FAB]  }
0x2d: {  	s3 =	simm.s32 $0x108;
	s8 =	sld [smem:$0x3FAC]  }
0x2e: {  	s3 =	simm.s32 @!p0 $0x1082;
	s9 =	sld [smem:$0x3FAD]  }
0x2f: {  	lr =	sadd.s32 s0, s3;
	s0 =	sld [smem:$0x3FA4]  }
0x30: {  	s3 =	sld [smem:$0x3FA7]  }
0x31: {  	[smem:$0x3FB0] =	sst s10  }
0x32: {  	s10 =	sld [smem:$0x3FAE];
	_ =	sdelay $0x3  }
0x33: {  	p0 =	seq.s32 s10, $0x1;
	s10 =	sld [smem:$0x3FB0];
	_ =	sdelay $0x3  }
0x34: {  	[smem:$0x3FB0] =	sst s10  }
0x35: {  	s10 =	sld [smem:$0x3FAF];
	_ =	sdelay $0x3  }
0x36: {  	p1 =	seq.s32 s10, $0x1;
	s10 =	sld [smem:$0x3FB0];
	_ =	sdelay $0x3  }
0x37: {  	[smem:$0x3FB0] =	sst s10  }
0x38: {  	s10 =	sld [smem:$0x3FB1]  }
0x39: {  	_ = 	snop;
	(pc) =	sbr.ind lr, $3  }
0x3a: {  	_ = 	snop  }
0x3b: {  	_ = 	snop  }
0x3c: {  	p2 =	seq.s32 s10, $0x1;
	s10 =	sld [smem:$0x3FB0]  }
0x3d: {  	_ =	shalt  }
0x3e: {  	_ =	shalt  }
0x3f: {  	_ =	shalt  }
0x40: {  	_ =	shalt  }
0x41: {  	_ =	shalt  }
0x42: {  	_ =	shalt  }
0x43: {  	_ =	shalt  }
0x44: {  	_ =	shalt  }
0x45: {  	_ =	shalt  }
0x46: {  	_ =	shalt  }
0x47: {  	_ =	shalt  }
0x48: {  	_ =	shalt  }
0x49: {  	_ =	shalt  }
0x4a: {  	_ =	shalt  }
0x4b: {  	_ =	shalt  }
0x4c: {  	_ =	shalt  }
0x4d: {  	_ =	shalt  }
0x4e: {  	_ =	shalt  }
0x4f: {  	_ =	shalt  }
0x50: {  	_ =	shalt  }
0x51: {  	_ =	shalt  }
0x52: {  	_ =	shalt  }
0x53: {  	_ =	shalt  }
0x54: {  	_ =	shalt  }
0x55: {  	_ =	shalt  }
0x56: {  	_ =	shalt  }
0x57: {  	_ =	shalt  }
0x58: {  	_ =	shalt  }
0x59: {  	_ =	shalt  }
0x5a: {  	_ =	shalt  }
0x5b: {  	_ =	shalt  }
0x5c: {  	_ =	shalt  }
0x5d: {  	_ =	shalt  }
0x5e: {  	_ =	shalt  }
0x5f: {  	_ =	shalt  }
0x60: {  	_ =	shalt  }
0x61: {  	_ =	shalt  }
0x62: {  	_ =	shalt  }
0x63: {  	_ =	shalt  }
0x64: {  	_ =	shalt  }
0x65: {  	_ =	shalt  }
0x66: {  	_ =	shalt  }
0x67: {  	_ =	shalt  }
0x68: {  	_ =	shalt  }
0x69: {  	_ =	shalt  }
0x6a: {  	_ =	shalt  }
0x6b: {  	_ =	shalt  }
0x6c: {  	_ =	shalt  }
0x6d: {  	_ =	shalt  }
0x6e: {  	_ =	shalt  }
0x6f: {  	_ =	shalt  }
0x70: {  	_ =	shalt  }
0x71: {  	_ =	shalt  }
0x72: {  	_ =	shalt  }
0x73: {  	_ =	shalt  }
0x74: {  	_ =	shalt  }
0x75: {  	_ =	shalt  }
0x76: {  	_ =	shalt  }
0x77: {  	_ =	shalt  }
0x78: {  	_ =	shalt  }
0x79: {  	_ =	shalt  }
0x7a: {  	_ =	shalt  }
0x7b: {  	_ =	shalt  }
0x7c: {  	_ =	shalt  }
0x7d: {  	_ =	shalt  }
0x7e: {  	_ =	shalt  }
0x7f: {  	_ =	shalt  }
0x80: {  	_ =	shalt  }
0x81: {  	_ =	shalt  }
0x82: {  	_ =	shalt  }
0x83: {  	_ =	shalt  }
0x84: {  	_ =	shalt  }
0x85: {  	_ =	shalt  }
0x86: {  	_ =	shalt  }
0x87: {  	_ =	shalt  }
.Lfunc_end0:
.L_simem_size_0:
called_computation.1_lowered:
.L_overlay_start_0:
0x88: {  	s2 =	sld [smem:$0x3FD9]  }
0x89: {  	s3 =	sld [smem:$0x3FFE];
	_ =	sdelay $0x1  }
0x8a: {  	s1 =	srdreg.scid  }
0x8b: {  	s0 =	sand.u32 $0x1, s1  }
0x8c: {  	s17 =	sshll.u32 s0, $0xA;
	s2 =	sadd.s32 s3, s2  }
0x8d: {  	s2 =	sadd.s32 s2, s17  }
0x8e: {  	[smem:$0x3FBC] =	sst s2  }
0x8f: {  	_ = 	snop  }
0x90: {  	s2 =	sld [smem:$0x3FD0];
	(tm) =	ssettm $0x1  }
0x91: {  	s18 =	sld [smem:$0x3FFB];
	_ =	sdelay $0x3  }
0x92: {  	_ =	strace s18  }
0x93: {  	s3 =	sld [smem:$0x3FFC];
	_ =	sdelay $0x3  }
0x94: {  	_ =	strace s3  }
0x95: {  	s3 =	sld [smem:$0x3FFD];
	_ =	sdelay $0x3  }
0x96: {  	_ =	strace s3  }
0x97: {  	_ =	strace $0x8FFFFFFF  }
0x98: {  	s19 =	sld [smem:$0x3FDB];
	_ =	sdelay $0x1  }
0x99: {  	s4 =	simm.s32 $_scs_section_size  }
0x9a: {  	s5 =	simm.s32 $_size__tile_overlayer_lowered;
	s6 =	simm.s32 $_tile_overlayer_lowered  }
0x9b: {  	s22 =	simm.s32 $0x1BFF;
	s21 =	sshll.u32 s6, $0x1;
	s3 =	sadd.s32 s4, s19  }
0x9c: {  	s7 =	simm.s32 $0x0;
	s20 =	sshll.u32 s5, $0x1;
	s5 =	sadd.s32 s21, s3  }
0x9d: {  	[timem:s7], [sflag:s22] =	dma.local [hbm:s5], s20  }
0x9e: {  	_ =	swait.ge [sflag:s22], s20  }
0x9f: {  	s4 =	ssub.s32 $0x0, s20;
	[sflag:s22] =	ssyncset.done $0x0  }
0xa0: {  	[sflag:s22] =	ssyncadd.s32 s4;
	_ =	sdelay $0x1  }
0xa1: {  	s23 =	simm.s32 $0x1B8B  }
0xa2: {  	_ =	swait.ge [sflag:s23], $0x1  }
0xa3: {  	[sflag:s23] =	ssyncset.done $0x0  }
0xa4: {  	s25 =	simm.s32 $0x1B8E;
	s24 =	sld [smem:$0x3FFE];
	[sflag:s23] =	ssyncadd.s32 $0xFFFFFFFF  }
0xa5: {  	s26 =	simm.s32 $execute0_lowered;
	[smem:$0x3FD2] =	sst s25  }
0xa6: {  	s5 =	sshll.u32 s26, $0x1;
	_ =	strace $0x80000049;
	[dreg:$0x1] =	wrdreg $0xFFFFFFFF  }
0xa7: {  	s28 =	simm.s32 $_size_execute0_lowered;
	s3 =	sadd.s32 s3, s5;
	[dreg:$0x0] =	wrdreg $0x0  }
0xa8: {  	s5 =	sshll.u32 s28, $0x1;
	[dreg:$0x2] =	wrdreg s3  }
0xa9: {  	[dreg:$0x3] =	wrdreg s5  }
0xaa: {  	[dreg:$0x4] =	wrdreg $0xC0  }
0xab: {  	_ =	task [dreg:s7], $0x5FFFF  }
0xac: {  	[dreg:$0x1] =	wrdreg $0xFFFFFFFF  }
0xad: {  	[dreg:$0x0] =	wrdreg $0x60  }
0xae: {  	[dreg:$0x2] =	wrdreg s2  }
0xaf: {  	[dreg:$0x3] =	wrdreg s24  }
0xb0: {  	[dreg:$0x4] =	wrdreg $0x90000  }
0xb1: {  	[dreg:$0x5] =	wrdreg $0x9  }
0xb2: {  	_ =	task.clear_ibuf [dreg:s7], $0x6FFFF;
	_ =	strace $0x90000049  }
0xb3: {  	s29 =	simm.s32 $0x9;
	_ =	strace $0x8000004B  }
0xb4: {  	_ =	swait.ge [sflag:s29], $0x1  }
0xb5: {  	[sflag:s29] =	ssyncadd.s32 $0xFFFFFFFF  }
0xb6: {  	_ =	strace $0x9000004B  }
0xb7: {  	_ =	sfence  }
0xb8: {  	s30 =	sld [smem:$0x0];
	_ =	sdelay $0x2  }
0xb9: {  	s31 =	sshll.u32 s1, $0xD;
	s1 =	sshrl.u32 s1, $0x2  }
0xba: {  	s3 =	sand.u32 $0x4000, s31;
	s1 =	sadd.s32 s1, s30  }
0xbb: {  	s0 =	sor.u32 s3, s0;
	s1 =	sshll.u32 s1, $0x11  }
0xbc: {  	s0 =	sor.u32 s1, s0  }
0xbd: {  	s0 =	sadd.s32 $0x8F2B, s0  }
0xbe: {  	[sflag:s0] =	ssyncadd.remote.s32 $0x1  }
0xbf: {  	_ =	sfence.sel $0xFFFF  }
0xc0: {  	[dreg:$0x0] =	wrdreg $0xFFFFFFFF;
	(pc) =	sbr.abs _section_cstart, $3  }
0xc1: {  	[dreg:$0x1] =	wrdreg $0xFFFFFFFF  }
0xc2: {  	_ =	task.clear_ibuf [dreg:s7], $0x2FFFF;
	_ =	strace $0x9FFFFFFF  }
0xc3: {  	(tm) =	ssettm $0x7FFFFFFF  }
tec
execute0_lowered:
.L_overlay_start_1:
0x0: {  	(tag) =	ssettag $0x1  }
0x1: {  	s7 =	rddreg [dreg:$0x0];
	s1 =	srdreg.scid  }
0x2: {  	s0 =	stileid.u32;
	s5 =	rddreg [dreg:$0x1]  }
0x3: {  	s2 =	rddreg [dreg:$0x2];
	s3 =	simm.s32 $0x0;
	s14 =	simm.s32 $0x80  }
0x4: {  	s15 =	simm.s32 $0x5000;
	s16 =	simm.s32 $0x1;
	s17 =	simm.s32 $0x0  }
0x5: {  	s6 =	sand.u32 $0x1, s1;
	s1 =	rddreg [dreg:$0x3];
	s9 =	smul.u32 $0x2800, s0  }
0x6: {  	s28 =	sshll.u32 s0, $0x1;
	[smem:$0x7FF] =	sst s3;
	s12 =	smul.u32 $0x50000, s0  }
0x7: {  	s31 =	sshll.u32 s0, $0x6;
	s4 =	sor.u32 s6, s28;
	s11 =	smul.u32 $0x28000, s6  }
0x8: {  	_ =	strace $0x8000004A;
	s6 =	ssub.s32 $0x2, s6;
	s8 =	smul.u32 $0x500, s4  }
0x9: {  	s4 =	sadd.s32 $0x35E00, s5;
	s13 =	sadd.s32 s9, s5;
	s29 =	sshrl.u32 s6, $0x1  }
0xa: {  	s30 =	sshrl.u32 s12, $0x2;
	s9 =	sadd.s32 s9, s11;
	s11 =	ssub.s32 s6, s29  }
0xb: {  	s12 =	sadd.s32 s30, s2;
	s6 =	sor.u32 $0x1C02, s31;
	s10 =	sadd.s32 s8, s5  }
0xc: {  	s9 =	sadd.s32 s9, s5;
	s5 =	sadd.s32 $0xDE00, s13;
	s7 =	sadd.s32 s7, s8  }
0xd: {  	s13 =	simm.s32 $0x2800;
	s8 =	sadd.s32 $0x3600, s10;
	s9 =	sadd.s32 $0x5DE00, s9  }
0xe: {  	s10 =	smax.u32 s11, $0x1;
	s11 =	sshrl.u32 s12, $0x3;
	s12 =	simm.s32 $0x2  }
.LBB2_1:
0xf: {  	[spmem:s11], [sflag:s6] =	dma.local [hbm:s5], $0x2800  }
0x10: {  	_ =	swait.ge [sflag:s12], $0x2800  }
0x11: {  	[sflag:s12] =	ssyncset.done $0x0  }
0x12: {  	[sflag:s12] =	ssyncadd.s32 $0xFFFFD800  }
0x13: {  	[tilespmem:s3], [sflag:$0x2] =	stream.linear.gather [hbm4b:s7+s3], $0x2780, $0x38;
	[tilespmem:$0x1D000] =	vst v63  }
0x14: {  	_ =	swait.ge [sflag:s12], $0x2780  }
0x15: {  	[sflag:s12] =	ssyncset.done $0x0  }
0x16: {  	[sflag:s12] =	ssyncadd.s32 $0xFFFFD880  }
0x17: {  	[tilespmem:s13], [sflag:$0x2] =	stream.linear.gather [hbm4b:s8+s3], $0x2780, $0x38;
	[tilespmem:$0x1D000] =	vst v63  }
0x18: {  	_ =	swait.ge [sflag:s12], $0x2780  }
0x19: {  	[sflag:s12] =	ssyncset.done $0x0  }
0x1a: {  	[sflag:s12] =	ssyncadd.s32 $0xFFFFD880  }
0x1b: {  	s18 =	simm.s32 $0x0;
	[bflag:$0x0] =	sbarrier.arrive $0xFFFF  }
0x1c: {  	[tilespmem:s15], [sflag:$0x1] =	stream.indirect.gather [hbm4b:s4+s14], $0x80, s18, s14, $0xb8;
	[tilespmem:$0x1D000] =	vst v63  }
0x1d: {  	_ =	swait.ge [sflag:s16], $0x4000  }
0x1e: {  	[sflag:s16] =	ssyncset.done $0x0  }
0x1f: {  	s31 =	simm.s32 $0x2800;
	[sflag:s16] =	ssyncadd.s32 $0xFFFFC000  }
0x20: {  	[spmem:s2] =	stream.indirect.scatter.add.f32 [tilespmem:s15], [sflag:$0x2], $0x80, s31, s14, $0xb8;
	[tilespmem:$0x1D000] =	vst v63  }
0x21: {  	_ =	swait.ge [sflag:s12], $0x4000  }
0x22: {  	s19 =	simm.s32 $0x400;
	s18 =	simm.s32 $0x200;
	[sflag:s12] =	ssyncset.done $0x0  }
.LBB2_2:
0x23: {  	s20 =	sshra.s32 s18, $0x2  }
0x24: {  	[sflag:s12] =	ssyncadd.s32 $0xFFFFC000;
	s18 =	smov.u32 s19;
	s21 =	sadd.s32 $0x200, s19  }
0x25: {  	[tilespmem:s15], [sflag:$0x1] =	stream.indirect.gather [hbm4b:s4+s14], $0x80, s20, s14, $0xb8;
	[tilespmem:$0x1D000] =	vst v63  }
0x26: {  	p0 =	sne.s32 s19, $0x9C00;
	_ =	swait.ge [sflag:s16], $0x4000  }
.Ltmp0:
0x27: {  	[sflag:s16] =	ssyncset.done $0x0;
	(pc) =	sbr.rel @p0 .LBB2_2-.Ltmp0, $4  }
0x28: {  	s19 =	sadd.s32 $0x2800, s20;
	[sflag:s16] =	ssyncadd.s32 $0xFFFFC000  }
0x29: {  	[spmem:s2] =	stream.indirect.scatter.add.f32 [tilespmem:s15], [sflag:$0x2], $0x80, s19, s14, $0xb8;
	[tilespmem:$0x1D000] =	vst v63  }
0x2a: {  	_ =	swait.ge [sflag:s12], $0x4000  }
0x2b: {  	s19 =	smov.u32 s21;
	[sflag:s12] =	ssyncset.done $0x0  }
0x2c: {  	s18 =	sshra.s32 s18, $0x2;
	[sflag:s12] =	ssyncadd.s32 $0xFFFFC000  }
0x2d: {  	[tilespmem:s15], [sflag:$0x1] =	stream.indirect.gather [hbm4b:s4+s14], $0x80, s18, s14, $0xb8;
	[tilespmem:$0x1D000] =	vst v63  }
0x2e: {  	_ =	swait.ge [sflag:s16], $0x4000  }
0x2f: {  	[sflag:s16] =	ssyncset.done $0x0  }
0x30: {  	s18 =	sadd.s32 $0x2800, s18;
	[sflag:s16] =	ssyncadd.s32 $0xFFFFC000  }
0x31: {  	[spmem:s2] =	stream.indirect.scatter.add.f32 [tilespmem:s15], [sflag:$0x2], $0x80, s18, s14, $0xb8;
	[tilespmem:$0x1D000] =	vst v63  }
0x32: {  	_ =	swait.ge [sflag:s12], $0x4000  }
0x33: {  	s17 =	sadd.s32 $0x1, s17;
	[sflag:s12] =	ssyncset.done $0x0  }
0x34: {  	p0 =	sne.s32 s17, s10;
	[sflag:s12] =	ssyncadd.s32 $0xFFFFC000  }
.Ltmp1:
0x35: {  	[bflag:$0x0] =	sbarrier.arrive $0xFFFF;
	(pc) =	sbr.rel @p0 .LBB2_1-.Ltmp1, $4  }
0x36: {  	[hbm:s9], [sflag:s6] =	dma.local [spmem:s11], $0x2800  }
0x37: {  	_ =	swait.ge [sflag:s12], $0x2800  }
0x38: {  	[sflag:s12] =	ssyncset.done $0x0  }
0x39: {  	[sflag:s12] =	ssyncadd.s32 $0xFFFFD800  }
0x3a: {  	_ =	sfence.sel $0x180000  }
0x3b: {  	[bflag:$0x0] =	sbarrier.arrive $0xFFFF  }
0x3c: {  	p0 =	sne.s32 s0, $0x0;
	_ =	strace $0x9000004A  }
0x3d: {  	s0 =	sadd.s32 @!p0 $0x100000, s1;
	[bflag:$0x2] =	sbarrier.arrive $0xFFFF  }
0x3e: {  	[sflag:s0] =	ssyncadd.tile.s32 @!p0 $0x1;
	_ =	shalt  }
.Lfunc_end2:
_tile_overlayer_lowered:
.L_overlay_start_2:
0x3f: {  	(tag) =	ssettag $0x2  }
0x40: {  	s0 =	rddreg [dreg:$0x0];
	s2 =	stileid.u32  }
0x41: {  	s1 =	rddreg [dreg:$0x1];
	p0 =	sne.s32 s2, $0x0  }
0x42: {  	s3 =	rddreg [dreg:$0x2];
	[bflag:$0x3] =	sbarrier.arrive $0xFFFF;
	s2 =	simm.s32 @!p0 $0x1C02  }
0x43: {  	[timem:s3], [sflag:s2] =	dma.local @!p0 [hbm:s0], s1  }
0x44: {  	s0 =	simm.s32 @!p0 $0x2  }
0x45: {  	_ =	swait.ge @!p0 [sflag:s0], s1  }
0x46: {  	s1 =	ssub.s32 @!p0 $0x0, s1;
	[sflag:s0] =	ssyncset.done @!p0 $0x0  }
0x47: {  	[sflag:s0] =	ssyncadd.s32 @!p0 s1  }
0x48: {  	[bflag:$0x3] =	sbarrier.arrive $0xFFFF  }
0x49: {  	_ =	shalt  }

// kernel: kernel.18.cloned.1.call-start
scs
__scs_entry_jumppad:
0x0: {  	(pc) =	sbr.rel $0x88, $3  }
0x1: {  	(tag) =	ssettag $0x0;
	lr =	simm.s32 $0x1  }
0x2: {  	[smem:$0x3F95] =	sst lr;
	_ =	strace $0xD0000000  }
0x3: {  	_ = 	snop  }
0x4: {  	_ = 	snop  }
0x5: {  	_ = 	snop  }
0x6: {  	_ = 	snop  }
0x7: {  	_ = 	snop  }
__scs_overlays_trampoline_lowered:
0x8: {  	[smem:$0x3FA4] =	sst s0  }
0x9: {  	[smem:$0x3FA5] =	sst s1  }
0xa: {  	[smem:$0x3FA6] =	sst s2  }
0xb: {  	[smem:$0x3FA7] =	sst s3  }
0xc: {  	[smem:$0x3FA8] =	sst s4  }
0xd: {  	[smem:$0x3FA9] =	sst s5  }
0xe: {  	[smem:$0x3FAA] =	sst s6  }
0xf: {  	[smem:$0x3FAB] =	sst s7  }
0x10: {  	[smem:$0x3FAC] =	sst s8  }
0x11: {  	[smem:$0x3FAD] =	sst s9;
	s0 =	simm.s32 @!p0 $0x0  }
0x12: {  	s1 =	sld [smem:$0x3F93];
	s0 =	simm.s32 @p0 $0x1  }
0x13: {  	[smem:$0x3FAE] =	sst s0;
	s0 =	simm.s32 @!p1 $0x0  }
0x14: {  	s2 =	sld [smem:$0x3F92];
	s0 =	simm.s32 @p1 $0x1  }
0x15: {  	[smem:$0x3FAF] =	sst s0;
	s0 =	simm.s32 @!p2 $0x0  }
0x16: {  	s3 =	sld [smem:$0x3FDB];
	s0 =	simm.s32 @p2 $0x1  }
0x17: {  	s4 =	simm.s32 $0x1BF5;
	[smem:$0x3FB1] =	sst s0  }
0x18: {  	s0 =	sld [smem:$0x3F94];
	_ =	swait.ge [sflag:s4], $0x0  }
0x19: {  	s7 =	sld [smem:$0x3F95]  }
0x1a: {  	s8 =	sadd.s32 $0xFFFFE003, lr  }
0x1b: {  	s9 =	sadd.s32 $0xFFFFFEF7, lr;
	s5 =	simm.s32 $0xFFFFFFFF;
	p2 =	slt.u32 s8, $0xFFFFF086  }
0x1c: {  	p1 =	slt.u32 s9, $0xF7A;
	s5 =	simm.s32 @!p2 $0x0  }
0x1d: {  	s5 =	simm.s32 @p1 $0x1;
	p0 =	seq.s32 s7, s2  }
0x1e: {  	s7 =	smul.u32 @!p0 $0xF7A, s2;
	p2 =	seq.s32 @!p0 s5, $0x0  }
0x1f: {  	s9 =	smul.u32 $0xF7A, s1;
	s8 =	simm.s32 @!p0 $0x1BF5;
	p2 =	por !p2, p0  }
0x20: {  	[sflag:s8] =	ssyncset.s32 @!p0 $0xFFFFF086;
	s6 =	sadd.s32 @!p0 s3, s7;
	s7 =	simm.s32 @!p0 $0x108  }
0x21: {  	s3 =	sadd.s32 s3, s9;
	s6 =	sadd.s32 @!p0 $0x88, s6;
	s7 =	simm.s32 @p2 $0x1082  }
0x22: {  	[simem:s7], [sflag:s8] =	dma.local @!p0 [hbm:s6], $0xF7A  }
0x23: {  	s9 =	sor.u32 $0xD0000000, s2;
	s6 =	simm.s32 $0x108;
	_ =	swait.ge @!p0 [sflag:s8], $0x0  }
0x24: {  	s3 =	sadd.s32 $0x88, s3;
	s6 =	simm.s32 @!p1 $0x1082;
	[sflag:s4] =	ssyncset.s32 $0xFFFFF086  }
0x25: {  	[simem:s6], [sflag:s4] =	dma.local [hbm:s3], $0xF7A  }
0x26: {  	[smem:$0x3F95] =	sst s1;
	(tag) =	ssettag s2;
	_ =	strace s9  }
0x27: {  	s1 =	sld [smem:$0x3FA5]  }
0x28: {  	s2 =	sld [smem:$0x3FA6]  }
0x29: {  	s4 =	sld [smem:$0x3FA8]  }
0x2a: {  	p0 =	seq.s32 s5, $0x0;
	s5 =	sld [smem:$0x3FA9]  }
0x2b: {  	s6 =	sld [smem:$0x3FAA]  }
0x2c: {  	s7 =	sld [smem:$0x3FAB]  }
0x2d: {  	s3 =	simm.s32 $0x108;
	s8 =	sld [smem:$0x3FAC]  }
0x2e: {  	s3 =	simm.s32 @!p0 $0x1082;
	s9 =	sld [smem:$0x3FAD]  }
0x2f: {  	lr =	sadd.s32 s0, s3;
	s0 =	sld [smem:$0x3FA4]  }
0x30: {  	s3 =	sld [smem:$0x3FA7]  }
0x31: {  	[smem:$0x3FB0] =	sst s10  }
0x32: {  	s10 =	sld [smem:$0x3FAE];
	_ =	sdelay $0x3  }
0x33: {  	p0 =	seq.s32 s10, $0x1;
	s10 =	sld [smem:$0x3FB0];
	_ =	sdelay $0x3  }
0x34: {  	[smem:$0x3FB0] =	sst s10  }
0x35: {  	s10 =	sld [smem:$0x3FAF];
	_ =	sdelay $0x3  }
0x36: {  	p1 =	seq.s32 s10, $0x1;
	s10 =	sld [smem:$0x3FB0];
	_ =	sdelay $0x3  }
0x37: {  	[smem:$0x3FB0] =	sst s10  }
0x38: {  	s10 =	sld [smem:$0x3FB1]  }
0x39: {  	_ = 	snop;
	(pc) =	sbr.ind lr, $3  }
0x3a: {  	_ = 	snop  }
0x3b: {  	_ = 	snop  }
0x3c: {  	p2 =	seq.s32 s10, $0x1;
	s10 =	sld [smem:$0x3FB0]  }
0x3d: {  	_ =	shalt  }
0x3e: {  	_ =	shalt  }
0x3f: {  	_ =	shalt  }
0x40: {  	_ =	shalt  }
0x41: {  	_ =	shalt  }
0x42: {  	_ =	shalt  }
0x43: {  	_ =	shalt  }
0x44: {  	_ =	shalt  }
0x45: {  	_ =	shalt  }
0x46: {  	_ =	shalt  }
0x47: {  	_ =	shalt  }
0x48: {  	_ =	shalt  }
0x49: {  	_ =	shalt  }
0x4a: {  	_ =	shalt  }
0x4b: {  	_ =	shalt  }
0x4c: {  	_ =	shalt  }
0x4d: {  	_ =	shalt  }
0x4e: {  	_ =	shalt  }
0x4f: {  	_ =	shalt  }
0x50: {  	_ =	shalt  }
0x51: {  	_ =	shalt  }
0x52: {  	_ =	shalt  }
0x53: {  	_ =	shalt  }
0x54: {  	_ =	shalt  }
0x55: {  	_ =	shalt  }
0x56: {  	_ =	shalt  }
0x57: {  	_ =	shalt  }
0x58: {  	_ =	shalt  }
0x59: {  	_ =	shalt  }
0x5a: {  	_ =	shalt  }
0x5b: {  	_ =	shalt  }
0x5c: {  	_ =	shalt  }
0x5d: {  	_ =	shalt  }
0x5e: {  	_ =	shalt  }
0x5f: {  	_ =	shalt  }
0x60: {  	_ =	shalt  }
0x61: {  	_ =	shalt  }
0x62: {  	_ =	shalt  }
0x63: {  	_ =	shalt  }
0x64: {  	_ =	shalt  }
0x65: {  	_ =	shalt  }
0x66: {  	_ =	shalt  }
0x67: {  	_ =	shalt  }
0x68: {  	_ =	shalt  }
0x69: {  	_ =	shalt  }
0x6a: {  	_ =	shalt  }
0x6b: {  	_ =	shalt  }
0x6c: {  	_ =	shalt  }
0x6d: {  	_ =	shalt  }
0x6e: {  	_ =	shalt  }
0x6f: {  	_ =	shalt  }
0x70: {  	_ =	shalt  }
0x71: {  	_ =	shalt  }
0x72: {  	_ =	shalt  }
0x73: {  	_ =	shalt  }
0x74: {  	_ =	shalt  }
0x75: {  	_ =	shalt  }
0x76: {  	_ =	shalt  }
0x77: {  	_ =	shalt  }
0x78: {  	_ =	shalt  }
0x79: {  	_ =	shalt  }
0x7a: {  	_ =	shalt  }
0x7b: {  	_ =	shalt  }
0x7c: {  	_ =	shalt  }
0x7d: {  	_ =	shalt  }
0x7e: {  	_ =	shalt  }
0x7f: {  	_ =	shalt  }
0x80: {  	_ =	shalt  }
0x81: {  	_ =	shalt  }
0x82: {  	_ =	shalt  }
0x83: {  	_ =	shalt  }
0x84: {  	_ =	shalt  }
0x85: {  	_ =	shalt  }
0x86: {  	_ =	shalt  }
0x87: {  	_ =	shalt  }
.Lfunc_end0:
.L_simem_size_0:
called_computation.2_lowered:
.L_overlay_start_0:
0x88: {  	s2 =	sld [smem:$0x3FD9]  }
0x89: {  	s3 =	sld [smem:$0x3FFE];
	_ =	sdelay $0x1  }
0x8a: {  	s1 =	srdreg.scid  }
0x8b: {  	s0 =	sand.u32 $0x1, s1  }
0x8c: {  	s17 =	sshll.u32 s0, $0xA;
	s2 =	sadd.s32 s3, s2  }
0x8d: {  	s2 =	sadd.s32 s2, s17  }
0x8e: {  	[smem:$0x3FBC] =	sst s2  }
0x8f: {  	_ = 	snop  }
0x90: {  	s2 =	sld [smem:$0x3FD0];
	(tm) =	ssettm $0x1  }
0x91: {  	s18 =	sld [smem:$0x3FFB];
	_ =	sdelay $0x3  }
0x92: {  	_ =	strace s18  }
0x93: {  	s3 =	sld [smem:$0x3FFC];
	_ =	sdelay $0x3  }
0x94: {  	_ =	strace s3  }
0x95: {  	s3 =	sld [smem:$0x3FFD];
	_ =	sdelay $0x3  }
0x96: {  	_ =	strace s3  }
0x97: {  	_ =	strace $0x8FFFFFFF  }
0x98: {  	s19 =	sld [smem:$0x3FDB];
	_ =	sdelay $0x1  }
0x99: {  	s4 =	simm.s32 $_scs_section_size  }
0x9a: {  	s5 =	simm.s32 $_size__tile_overlayer_lowered;
	s6 =	simm.s32 $_tile_overlayer_lowered  }
0x9b: {  	s22 =	simm.s32 $0x1BFF;
	s21 =	sshll.u32 s6, $0x1;
	s3 =	sadd.s32 s4, s19  }
0x9c: {  	s7 =	simm.s32 $0x0;
	s20 =	sshll.u32 s5, $0x1;
	s5 =	sadd.s32 s21, s3  }
0x9d: {  	[timem:s7], [sflag:s22] =	dma.local [hbm:s5], s20  }
0x9e: {  	_ =	swait.ge [sflag:s22], s20  }
0x9f: {  	s4 =	ssub.s32 $0x0, s20;
	[sflag:s22] =	ssyncset.done $0x0  }
0xa0: {  	[sflag:s22] =	ssyncadd.s32 s4;
	_ =	sdelay $0x1  }
0xa1: {  	s23 =	simm.s32 $0x1B8B  }
0xa2: {  	_ =	swait.ge [sflag:s23], $0x1  }
0xa3: {  	[sflag:s23] =	ssyncset.done $0x0  }
0xa4: {  	s25 =	simm.s32 $0x1B8E;
	s24 =	sld [smem:$0x3FFE];
	[sflag:s23] =	ssyncadd.s32 $0xFFFFFFFF  }
0xa5: {  	s26 =	simm.s32 $execute0_lowered;
	[smem:$0x3FD2] =	sst s25  }
0xa6: {  	s5 =	sshll.u32 s26, $0x1;
	_ =	strace $0x8000004C;
	[dreg:$0x1] =	wrdreg $0xFFFFFFFF  }
0xa7: {  	s28 =	simm.s32 $_size_execute0_lowered;
	s3 =	sadd.s32 s3, s5;
	[dreg:$0x0] =	wrdreg $0x0  }
0xa8: {  	s5 =	sshll.u32 s28, $0x1;
	[dreg:$0x2] =	wrdreg s3  }
0xa9: {  	[dreg:$0x3] =	wrdreg s5  }
0xaa: {  	[dreg:$0x4] =	wrdreg $0xC0  }
0xab: {  	_ =	task [dreg:s7], $0x5FFFF  }
0xac: {  	[dreg:$0x1] =	wrdreg $0xFFFFFFFF  }
0xad: {  	[dreg:$0x0] =	wrdreg $0x60  }
0xae: {  	[dreg:$0x2] =	wrdreg s2  }
0xaf: {  	[dreg:$0x3] =	wrdreg s24  }
0xb0: {  	[dreg:$0x4] =	wrdreg $0x90000  }
0xb1: {  	[dreg:$0x5] =	wrdreg $0x9  }
0xb2: {  	_ =	task.clear_ibuf [dreg:s7], $0x6FFFF;
	_ =	strace $0x9000004C  }
0xb3: {  	s29 =	simm.s32 $0x9;
	_ =	strace $0x8000004E  }
0xb4: {  	_ =	swait.ge [sflag:s29], $0x1  }
0xb5: {  	[sflag:s29] =	ssyncadd.s32 $0xFFFFFFFF  }
0xb6: {  	_ =	strace $0x9000004E  }
0xb7: {  	_ =	sfence  }
0xb8: {  	s30 =	sld [smem:$0x0];
	_ =	sdelay $0x2  }
0xb9: {  	s31 =	sshll.u32 s1, $0xD;
	s1 =	sshrl.u32 s1, $0x2  }
0xba: {  	s3 =	sand.u32 $0x4000, s31;
	s1 =	sadd.s32 s1, s30  }
0xbb: {  	s0 =	sor.u32 s3, s0;
	s1 =	sshll.u32 s1, $0x11  }
0xbc: {  	s0 =	sor.u32 s1, s0  }
0xbd: {  	s0 =	sadd.s32 $0x8F2B, s0  }
0xbe: {  	[sflag:s0] =	ssyncadd.remote.s32 $0x1  }
0xbf: {  	_ =	sfence.sel $0xFFFF  }
0xc0: {  	[dreg:$0x0] =	wrdreg $0xFFFFFFFF;
	(pc) =	sbr.abs _section_cstart, $3  }
0xc1: {  	[dreg:$0x1] =	wrdreg $0xFFFFFFFF  }
0xc2: {  	_ =	task.clear_ibuf [dreg:s7], $0x2FFFF;
	_ =	strace $0x9FFFFFFF  }
0xc3: {  	(tm) =	ssettm $0x7FFFFFFF  }
tec
execute0_lowered:
.L_overlay_start_1:
0x0: {  	(tag) =	ssettag $0x1  }
0x1: {  	s7 =	rddreg [dreg:$0x0];
	s1 =	srdreg.scid  }
0x2: {  	s0 =	stileid.u32;
	s5 =	rddreg [dreg:$0x1]  }
0x3: {  	s2 =	rddreg [dreg:$0x2];
	s3 =	simm.s32 $0x0;
	s14 =	simm.s32 $0x80  }
0x4: {  	s15 =	simm.s32 $0x5000;
	s16 =	simm.s32 $0x1;
	s17 =	simm.s32 $0x0  }
0x5: {  	s6 =	sand.u32 $0x1, s1;
	s1 =	rddreg [dreg:$0x3];
	s9 =	smul.u32 $0x2800, s0  }
0x6: {  	s28 =	sshll.u32 s0, $0x1;
	[smem:$0x7FF] =	sst s3;
	s12 =	smul.u32 $0x50000, s0  }
0x7: {  	s31 =	sshll.u32 s0, $0x6;
	s4 =	sor.u32 s6, s28;
	s11 =	smul.u32 $0x28000, s6  }
0x8: {  	_ =	strace $0x8000004D;
	s6 =	ssub.s32 $0x2, s6;
	s8 =	smul.u32 $0x500, s4  }
0x9: {  	s4 =	sadd.s32 $0x35E00, s5;
	s13 =	sadd.s32 s9, s5;
	s29 =	sshrl.u32 s6, $0x1  }
0xa: {  	s30 =	sshrl.u32 s12, $0x2;
	s9 =	sadd.s32 s9, s11;
	s11 =	ssub.s32 s6, s29  }
0xb: {  	s12 =	sadd.s32 s30, s2;
	s6 =	sor.u32 $0x1C02, s31;
	s10 =	sadd.s32 s8, s5  }
0xc: {  	s9 =	sadd.s32 s9, s5;
	s5 =	sadd.s32 $0xDE00, s13;
	s7 =	sadd.s32 s7, s8  }
0xd: {  	s13 =	simm.s32 $0x2800;
	s8 =	sadd.s32 $0x3600, s10;
	s9 =	sadd.s32 $0x5DE00, s9  }
0xe: {  	s10 =	smax.u32 s11, $0x1;
	s11 =	sshrl.u32 s12, $0x3;
	s12 =	simm.s32 $0x2  }
.LBB2_1:
0xf: {  	[spmem:s11], [sflag:s6] =	dma.local [hbm:s5], $0x2800  }
0x10: {  	_ =	swait.ge [sflag:s12], $0x2800  }
0x11: {  	[sflag:s12] =	ssyncset.done $0x0  }
0x12: {  	[sflag:s12] =	ssyncadd.s32 $0xFFFFD800  }
0x13: {  	[tilespmem:s3], [sflag:$0x2] =	stream.linear.gather [hbm4b:s7+s3], $0x2780, $0x38;
	[tilespmem:$0x1D000] =	vst v63  }
0x14: {  	_ =	swait.ge [sflag:s12], $0x2780  }
0x15: {  	[sflag:s12] =	ssyncset.done $0x0  }
0x16: {  	[sflag:s12] =	ssyncadd.s32 $0xFFFFD880  }
0x17: {  	[tilespmem:s13], [sflag:$0x2] =	stream.linear.gather [hbm4b:s8+s3], $0x2780, $0x38;
	[tilespmem:$0x1D000] =	vst v63  }
0x18: {  	_ =	swait.ge [sflag:s12], $0x2780  }
0x19: {  	[sflag:s12] =	ssyncset.done $0x0  }
0x1a: {  	[sflag:s12] =	ssyncadd.s32 $0xFFFFD880  }
0x1b: {  	s18 =	simm.s32 $0x0;
	[bflag:$0x0] =	sbarrier.arrive $0xFFFF  }
0x1c: {  	[tilespmem:s15], [sflag:$0x1] =	stream.indirect.gather [hbm4b:s4+s14], $0x80, s18, s14, $0xb8;
	[tilespmem:$0x1D000] =	vst v63  }
0x1d: {  	_ =	swait.ge [sflag:s16], $0x4000  }
0x1e: {  	[sflag:s16] =	ssyncset.done $0x0  }
0x1f: {  	s31 =	simm.s32 $0x2800;
	[sflag:s16] =	ssyncadd.s32 $0xFFFFC000  }
0x20: {  	[spmem:s2] =	stream.indirect.scatter.add.f32 [tilespmem:s15], [sflag:$0x2], $0x80, s31, s14, $0xb8;
	[tilespmem:$0x1D000] =	vst v63  }
0x21: {  	_ =	swait.ge [sflag:s12], $0x4000  }
0x22: {  	s19 =	simm.s32 $0x400;
	s18 =	simm.s32 $0x200;
	[sflag:s12] =	ssyncset.done $0x0  }
.LBB2_2:
0x23: {  	s20 =	sshra.s32 s18, $0x2  }
0x24: {  	[sflag:s12] =	ssyncadd.s32 $0xFFFFC000;
	s18 =	smov.u32 s19;
	s21 =	sadd.s32 $0x200, s19  }
0x25: {  	[tilespmem:s15], [sflag:$0x1] =	stream.indirect.gather [hbm4b:s4+s14], $0x80, s20, s14, $0xb8;
	[tilespmem:$0x1D000] =	vst v63  }
0x26: {  	p0 =	sne.s32 s19, $0x9C00;
	_ =	swait.ge [sflag:s16], $0x4000  }
.Ltmp0:
0x27: {  	[sflag:s16] =	ssyncset.done $0x0;
	(pc) =	sbr.rel @p0 .LBB2_2-.Ltmp0, $4  }
0x28: {  	s19 =	sadd.s32 $0x2800, s20;
	[sflag:s16] =	ssyncadd.s32 $0xFFFFC000  }
0x29: {  	[spmem:s2] =	stream.indirect.scatter.add.f32 [tilespmem:s15], [sflag:$0x2], $0x80, s19, s14, $0xb8;
	[tilespmem:$0x1D000] =	vst v63  }
0x2a: {  	_ =	swait.ge [sflag:s12], $0x4000  }
0x2b: {  	s19 =	smov.u32 s21;
	[sflag:s12] =	ssyncset.done $0x0  }
0x2c: {  	s18 =	sshra.s32 s18, $0x2;
	[sflag:s12] =	ssyncadd.s32 $0xFFFFC000  }
0x2d: {  	[tilespmem:s15], [sflag:$0x1] =	stream.indirect.gather [hbm4b:s4+s14], $0x80, s18, s14, $0xb8;
	[tilespmem:$0x1D000] =	vst v63  }
0x2e: {  	_ =	swait.ge [sflag:s16], $0x4000  }
0x2f: {  	[sflag:s16] =	ssyncset.done $0x0  }
0x30: {  	s18 =	sadd.s32 $0x2800, s18;
	[sflag:s16] =	ssyncadd.s32 $0xFFFFC000  }
0x31: {  	[spmem:s2] =	stream.indirect.scatter.add.f32 [tilespmem:s15], [sflag:$0x2], $0x80, s18, s14, $0xb8;
	[tilespmem:$0x1D000] =	vst v63  }
0x32: {  	_ =	swait.ge [sflag:s12], $0x4000  }
0x33: {  	s17 =	sadd.s32 $0x1, s17;
	[sflag:s12] =	ssyncset.done $0x0  }
0x34: {  	p0 =	sne.s32 s17, s10;
	[sflag:s12] =	ssyncadd.s32 $0xFFFFC000  }
.Ltmp1:
0x35: {  	[bflag:$0x0] =	sbarrier.arrive $0xFFFF;
	(pc) =	sbr.rel @p0 .LBB2_1-.Ltmp1, $4  }
0x36: {  	[hbm:s9], [sflag:s6] =	dma.local [spmem:s11], $0x2800  }
0x37: {  	_ =	swait.ge [sflag:s12], $0x2800  }
0x38: {  	[sflag:s12] =	ssyncset.done $0x0  }
0x39: {  	[sflag:s12] =	ssyncadd.s32 $0xFFFFD800  }
0x3a: {  	_ =	sfence.sel $0x180000  }
0x3b: {  	[bflag:$0x0] =	sbarrier.arrive $0xFFFF  }
0x3c: {  	p0 =	sne.s32 s0, $0x0;
	_ =	strace $0x9000004D  }
0x3d: {  	s0 =	sadd.s32 @!p0 $0x100000, s1;
	[bflag:$0x2] =	sbarrier.arrive $0xFFFF  }
0x3e: {  	[sflag:s0] =	ssyncadd.tile.s32 @!p0 $0x1;
	_ =	shalt  }
.Lfunc_end2:
_tile_overlayer_lowered:
.L_overlay_start_2:
0x3f: {  	(tag) =	ssettag $0x2  }
0x40: {  	s0 =	rddreg [dreg:$0x0];
	s2 =	stileid.u32  }
0x41: {  	s1 =	rddreg [dreg:$0x1];
	p0 =	sne.s32 s2, $0x0  }
0x42: {  	s3 =	rddreg [dreg:$0x2];
	[bflag:$0x3] =	sbarrier.arrive $0xFFFF;
	s2 =	simm.s32 @!p0 $0x1C02  }
0x43: {  	[timem:s3], [sflag:s2] =	dma.local @!p0 [hbm:s0], s1  }
0x44: {  	s0 =	simm.s32 @!p0 $0x2  }
0x45: {  	_ =	swait.ge @!p0 [sflag:s0], s1  }
0x46: {  	s1 =	ssub.s32 @!p0 $0x0, s1;
	[sflag:s0] =	ssyncset.done @!p0 $0x0  }
0x47: {  	[sflag:s0] =	ssyncadd.s32 @!p0 s1  }
0x48: {  	[bflag:$0x3] =	sbarrier.arrive $0xFFFF  }
0x49: {  	_ =	shalt  }

// kernel: kernel.21.cloned.1.call-start
scs
__scs_entry_jumppad:
0x0: {  	(pc) =	sbr.rel $0x88, $3  }
0x1: {  	(tag) =	ssettag $0x0;
	lr =	simm.s32 $0x1  }
0x2: {  	[smem:$0x3F95] =	sst lr;
	_ =	strace $0xD0000000  }
0x3: {  	_ = 	snop  }
0x4: {  	_ = 	snop  }
0x5: {  	_ = 	snop  }
0x6: {  	_ = 	snop  }
0x7: {  	_ = 	snop  }
__scs_overlays_trampoline_lowered:
0x8: {  	[smem:$0x3FA4] =	sst s0  }
0x9: {  	[smem:$0x3FA5] =	sst s1  }
0xa: {  	[smem:$0x3FA6] =	sst s2  }
0xb: {  	[smem:$0x3FA7] =	sst s3  }
0xc: {  	[smem:$0x3FA8] =	sst s4  }
0xd: {  	[smem:$0x3FA9] =	sst s5  }
0xe: {  	[smem:$0x3FAA] =	sst s6  }
0xf: {  	[smem:$0x3FAB] =	sst s7  }
0x10: {  	[smem:$0x3FAC] =	sst s8  }
0x11: {  	[smem:$0x3FAD] =	sst s9;
	s0 =	simm.s32 @!p0 $0x0  }
0x12: {  	s1 =	sld [smem:$0x3F93];
	s0 =	simm.s32 @p0 $0x1  }
0x13: {  	[smem:$0x3FAE] =	sst s0;
	s0 =	simm.s32 @!p1 $0x0  }
0x14: {  	s2 =	sld [smem:$0x3F92];
	s0 =	simm.s32 @p1 $0x1  }
0x15: {  	[smem:$0x3FAF] =	sst s0;
	s0 =	simm.s32 @!p2 $0x0  }
0x16: {  	s3 =	sld [smem:$0x3FDB];
	s0 =	simm.s32 @p2 $0x1  }
0x17: {  	s4 =	simm.s32 $0x1BF5;
	[smem:$0x3FB1] =	sst s0  }
0x18: {  	s0 =	sld [smem:$0x3F94];
	_ =	swait.ge [sflag:s4], $0x0  }
0x19: {  	s7 =	sld [smem:$0x3F95]  }
0x1a: {  	s8 =	sadd.s32 $0xFFFFE003, lr  }
0x1b: {  	s9 =	sadd.s32 $0xFFFFFEF7, lr;
	s5 =	simm.s32 $0xFFFFFFFF;
	p2 =	slt.u32 s8, $0xFFFFF086  }
0x1c: {  	p1 =	slt.u32 s9, $0xF7A;
	s5 =	simm.s32 @!p2 $0x0  }
0x1d: {  	s5 =	simm.s32 @p1 $0x1;
	p0 =	seq.s32 s7, s2  }
0x1e: {  	s7 =	smul.u32 @!p0 $0xF7A, s2;
	p2 =	seq.s32 @!p0 s5, $0x0  }
0x1f: {  	s9 =	smul.u32 $0xF7A, s1;
	s8 =	simm.s32 @!p0 $0x1BF5;
	p2 =	por !p2, p0  }
0x20: {  	[sflag:s8] =	ssyncset.s32 @!p0 $0xFFFFF086;
	s6 =	sadd.s32 @!p0 s3, s7;
	s7 =	simm.s32 @!p0 $0x108  }
0x21: {  	s3 =	sadd.s32 s3, s9;
	s6 =	sadd.s32 @!p0 $0x88, s6;
	s7 =	simm.s32 @p2 $0x1082  }
0x22: {  	[simem:s7], [sflag:s8] =	dma.local @!p0 [hbm:s6], $0xF7A  }
0x23: {  	s9 =	sor.u32 $0xD0000000, s2;
	s6 =	simm.s32 $0x108;
	_ =	swait.ge @!p0 [sflag:s8], $0x0  }
0x24: {  	s3 =	sadd.s32 $0x88, s3;
	s6 =	simm.s32 @!p1 $0x1082;
	[sflag:s4] =	ssyncset.s32 $0xFFFFF086  }
0x25: {  	[simem:s6], [sflag:s4] =	dma.local [hbm:s3], $0xF7A  }
0x26: {  	[smem:$0x3F95] =	sst s1;
	(tag) =	ssettag s2;
	_ =	strace s9  }
0x27: {  	s1 =	sld [smem:$0x3FA5]  }
0x28: {  	s2 =	sld [smem:$0x3FA6]  }
0x29: {  	s4 =	sld [smem:$0x3FA8]  }
0x2a: {  	p0 =	seq.s32 s5, $0x0;
	s5 =	sld [smem:$0x3FA9]  }
0x2b: {  	s6 =	sld [smem:$0x3FAA]  }
0x2c: {  	s7 =	sld [smem:$0x3FAB]  }
0x2d: {  	s3 =	simm.s32 $0x108;
	s8 =	sld [smem:$0x3FAC]  }
0x2e: {  	s3 =	simm.s32 @!p0 $0x1082;
	s9 =	sld [smem:$0x3FAD]  }
0x2f: {  	lr =	sadd.s32 s0, s3;
	s0 =	sld [smem:$0x3FA4]  }
0x30: {  	s3 =	sld [smem:$0x3FA7]  }
0x31: {  	[smem:$0x3FB0] =	sst s10  }
0x32: {  	s10 =	sld [smem:$0x3FAE];
	_ =	sdelay $0x3  }
0x33: {  	p0 =	seq.s32 s10, $0x1;
	s10 =	sld [smem:$0x3FB0];
	_ =	sdelay $0x3  }
0x34: {  	[smem:$0x3FB0] =	sst s10  }
0x35: {  	s10 =	sld [smem:$0x3FAF];
	_ =	sdelay $0x3  }
0x36: {  	p1 =	seq.s32 s10, $0x1;
	s10 =	sld [smem:$0x3FB0];
	_ =	sdelay $0x3  }
0x37: {  	[smem:$0x3FB0] =	sst s10  }
0x38: {  	s10 =	sld [smem:$0x3FB1]  }
0x39: {  	_ = 	snop;
	(pc) =	sbr.ind lr, $3  }
0x3a: {  	_ = 	snop  }
0x3b: {  	_ = 	snop  }
0x3c: {  	p2 =	seq.s32 s10, $0x1;
	s10 =	sld [smem:$0x3FB0]  }
0x3d: {  	_ =	shalt  }
0x3e: {  	_ =	shalt  }
0x3f: {  	_ =	shalt  }
0x40: {  	_ =	shalt  }
0x41: {  	_ =	shalt  }
0x42: {  	_ =	shalt  }
0x43: {  	_ =	shalt  }
0x44: {  	_ =	shalt  }
0x45: {  	_ =	shalt  }
0x46: {  	_ =	shalt  }
0x47: {  	_ =	shalt  }
0x48: {  	_ =	shalt  }
0x49: {  	_ =	shalt  }
0x4a: {  	_ =	shalt  }
0x4b: {  	_ =	shalt  }
0x4c: {  	_ =	shalt  }
0x4d: {  	_ =	shalt  }
0x4e: {  	_ =	shalt  }
0x4f: {  	_ =	shalt  }
0x50: {  	_ =	shalt  }
0x51: {  	_ =	shalt  }
0x52: {  	_ =	shalt  }
0x53: {  	_ =	shalt  }
0x54: {  	_ =	shalt  }
0x55: {  	_ =	shalt  }
0x56: {  	_ =	shalt  }
0x57: {  	_ =	shalt  }
0x58: {  	_ =	shalt  }
0x59: {  	_ =	shalt  }
0x5a: {  	_ =	shalt  }
0x5b: {  	_ =	shalt  }
0x5c: {  	_ =	shalt  }
0x5d: {  	_ =	shalt  }
0x5e: {  	_ =	shalt  }
0x5f: {  	_ =	shalt  }
0x60: {  	_ =	shalt  }
0x61: {  	_ =	shalt  }
0x62: {  	_ =	shalt  }
0x63: {  	_ =	shalt  }
0x64: {  	_ =	shalt  }
0x65: {  	_ =	shalt  }
0x66: {  	_ =	shalt  }
0x67: {  	_ =	shalt  }
0x68: {  	_ =	shalt  }
0x69: {  	_ =	shalt  }
0x6a: {  	_ =	shalt  }
0x6b: {  	_ =	shalt  }
0x6c: {  	_ =	shalt  }
0x6d: {  	_ =	shalt  }
0x6e: {  	_ =	shalt  }
0x6f: {  	_ =	shalt  }
0x70: {  	_ =	shalt  }
0x71: {  	_ =	shalt  }
0x72: {  	_ =	shalt  }
0x73: {  	_ =	shalt  }
0x74: {  	_ =	shalt  }
0x75: {  	_ =	shalt  }
0x76: {  	_ =	shalt  }
0x77: {  	_ =	shalt  }
0x78: {  	_ =	shalt  }
0x79: {  	_ =	shalt  }
0x7a: {  	_ =	shalt  }
0x7b: {  	_ =	shalt  }
0x7c: {  	_ =	shalt  }
0x7d: {  	_ =	shalt  }
0x7e: {  	_ =	shalt  }
0x7f: {  	_ =	shalt  }
0x80: {  	_ =	shalt  }
0x81: {  	_ =	shalt  }
0x82: {  	_ =	shalt  }
0x83: {  	_ =	shalt  }
0x84: {  	_ =	shalt  }
0x85: {  	_ =	shalt  }
0x86: {  	_ =	shalt  }
0x87: {  	_ =	shalt  }
.Lfunc_end0:
.L_simem_size_0:
called_computation.3_lowered:
.L_overlay_start_0:
0x88: {  	s2 =	sld [smem:$0x3FD9]  }
0x89: {  	s3 =	sld [smem:$0x3FFE];
	_ =	sdelay $0x1  }
0x8a: {  	s1 =	srdreg.scid  }
0x8b: {  	s0 =	sand.u32 $0x1, s1  }
0x8c: {  	s17 =	sshll.u32 s0, $0xA;
	s2 =	sadd.s32 s3, s2  }
0x8d: {  	s2 =	sadd.s32 s2, s17  }
0x8e: {  	[smem:$0x3FBC] =	sst s2  }
0x8f: {  	_ = 	snop  }
0x90: {  	s2 =	sld [smem:$0x3FD0];
	(tm) =	ssettm $0x1  }
0x91: {  	s18 =	sld [smem:$0x3FFB];
	_ =	sdelay $0x3  }
0x92: {  	_ =	strace s18  }
0x93: {  	s3 =	sld [smem:$0x3FFC];
	_ =	sdelay $0x3  }
0x94: {  	_ =	strace s3  }
0x95: {  	s3 =	sld [smem:$0x3FFD];
	_ =	sdelay $0x3  }
0x96: {  	_ =	strace s3  }
0x97: {  	_ =	strace $0x8FFFFFFF  }
0x98: {  	s19 =	sld [smem:$0x3FDB];
	_ =	sdelay $0x1  }
0x99: {  	s4 =	simm.s32 $_scs_section_size  }
0x9a: {  	s5 =	simm.s32 $_size__tile_overlayer_lowered;
	s6 =	simm.s32 $_tile_overlayer_lowered  }
0x9b: {  	s22 =	simm.s32 $0x1BFF;
	s21 =	sshll.u32 s6, $0x1;
	s3 =	sadd.s32 s4, s19  }
0x9c: {  	s7 =	simm.s32 $0x0;
	s20 =	sshll.u32 s5, $0x1;
	s5 =	sadd.s32 s21, s3  }
0x9d: {  	[timem:s7], [sflag:s22] =	dma.local [hbm:s5], s20  }
0x9e: {  	_ =	swait.ge [sflag:s22], s20  }
0x9f: {  	s4 =	ssub.s32 $0x0, s20;
	[sflag:s22] =	ssyncset.done $0x0  }
0xa0: {  	[sflag:s22] =	ssyncadd.s32 s4;
	_ =	sdelay $0x1  }
0xa1: {  	s23 =	simm.s32 $0x1B8B  }
0xa2: {  	_ =	swait.ge [sflag:s23], $0x1  }
0xa3: {  	[sflag:s23] =	ssyncset.done $0x0  }
0xa4: {  	s25 =	simm.s32 $0x1B8E;
	s24 =	sld [smem:$0x3FFE];
	[sflag:s23] =	ssyncadd.s32 $0xFFFFFFFF  }
0xa5: {  	s26 =	simm.s32 $execute0_lowered;
	[smem:$0x3FD2] =	sst s25  }
0xa6: {  	s5 =	sshll.u32 s26, $0x1;
	_ =	strace $0x8000004F;
	[dreg:$0x1] =	wrdreg $0xFFFFFFFF  }
0xa7: {  	s28 =	simm.s32 $_size_execute0_lowered;
	s3 =	sadd.s32 s3, s5;
	[dreg:$0x0] =	wrdreg $0x0  }
0xa8: {  	s5 =	sshll.u32 s28, $0x1;
	[dreg:$0x2] =	wrdreg s3  }
0xa9: {  	[dreg:$0x3] =	wrdreg s5  }
0xaa: {  	[dreg:$0x4] =	wrdreg $0xC0  }
0xab: {  	_ =	task [dreg:s7], $0x5FFFF  }
0xac: {  	[dreg:$0x1] =	wrdreg $0xFFFFFFFF  }
0xad: {  	[dreg:$0x0] =	wrdreg $0x60  }
0xae: {  	[dreg:$0x2] =	wrdreg s2  }
0xaf: {  	[dreg:$0x3] =	wrdreg s24  }
0xb0: {  	[dreg:$0x4] =	wrdreg $0x90000  }
0xb1: {  	[dreg:$0x5] =	wrdreg $0x9  }
0xb2: {  	_ =	task.clear_ibuf [dreg:s7], $0x6FFFF;
	_ =	strace $0x9000004F  }
0xb3: {  	s29 =	simm.s32 $0x9;
	_ =	strace $0x80000051  }
0xb4: {  	_ =	swait.ge [sflag:s29], $0x1  }
0xb5: {  	[sflag:s29] =	ssyncadd.s32 $0xFFFFFFFF  }
0xb6: {  	_ =	strace $0x90000051  }
0xb7: {  	_ =	sfence  }
0xb8: {  	s30 =	sld [smem:$0x0];
	_ =	sdelay $0x2  }
0xb9: {  	s31 =	sshll.u32 s1, $0xD;
	s1 =	sshrl.u32 s1, $0x2  }
0xba: {  	s3 =	sand.u32 $0x4000, s31;
	s1 =	sadd.s32 s1, s30  }
0xbb: {  	s0 =	sor.u32 s3, s0;
	s1 =	sshll.u32 s1, $0x11  }
0xbc: {  	s0 =	sor.u32 s1, s0  }
0xbd: {  	s0 =	sadd.s32 $0x8F2B, s0  }
0xbe: {  	[sflag:s0] =	ssyncadd.remote.s32 $0x1  }
0xbf: {  	_ =	sfence.sel $0xFFFF  }
0xc0: {  	[dreg:$0x0] =	wrdreg $0xFFFFFFFF;
	(pc) =	sbr.abs _section_cstart, $3  }
0xc1: {  	[dreg:$0x1] =	wrdreg $0xFFFFFFFF  }
0xc2: {  	_ =	task.clear_ibuf [dreg:s7], $0x2FFFF;
	_ =	strace $0x9FFFFFFF  }
0xc3: {  	(tm) =	ssettm $0x7FFFFFFF  }
tec
execute0_lowered:
.L_overlay_start_1:
0x0: {  	(tag) =	ssettag $0x1  }
0x1: {  	s7 =	rddreg [dreg:$0x0];
	s1 =	srdreg.scid  }
0x2: {  	s0 =	stileid.u32;
	s5 =	rddreg [dreg:$0x1]  }
0x3: {  	s2 =	rddreg [dreg:$0x2];
	s3 =	simm.s32 $0x0;
	s14 =	simm.s32 $0x80  }
0x4: {  	s15 =	simm.s32 $0x5000;
	s16 =	simm.s32 $0x1;
	s17 =	simm.s32 $0x0  }
0x5: {  	s6 =	sand.u32 $0x1, s1;
	s1 =	rddreg [dreg:$0x3];
	s9 =	smul.u32 $0x2800, s0  }
0x6: {  	s28 =	sshll.u32 s0, $0x1;
	[smem:$0x7FF] =	sst s3;
	s12 =	smul.u32 $0x50000, s0  }
0x7: {  	s31 =	sshll.u32 s0, $0x6;
	s4 =	sor.u32 s6, s28;
	s11 =	smul.u32 $0x28000, s6  }
0x8: {  	_ =	strace $0x80000050;
	s6 =	ssub.s32 $0x2, s6;
	s8 =	smul.u32 $0x500, s4  }
0x9: {  	s4 =	sadd.s32 $0x35E00, s5;
	s13 =	sadd.s32 s9, s5;
	s29 =	sshrl.u32 s6, $0x1  }
0xa: {  	s30 =	sshrl.u32 s12, $0x2;
	s9 =	sadd.s32 s9, s11;
	s11 =	ssub.s32 s6, s29  }
0xb: {  	s12 =	sadd.s32 s30, s2;
	s6 =	sor.u32 $0x1C02, s31;
	s10 =	sadd.s32 s8, s5  }
0xc: {  	s9 =	sadd.s32 s9, s5;
	s5 =	sadd.s32 $0xDE00, s13;
	s7 =	sadd.s32 s7, s8  }
0xd: {  	s13 =	simm.s32 $0x2800;
	s8 =	sadd.s32 $0x3600, s10;
	s9 =	sadd.s32 $0x5DE00, s9  }
0xe: {  	s10 =	smax.u32 s11, $0x1;
	s11 =	sshrl.u32 s12, $0x3;
	s12 =	simm.s32 $0x2  }
.LBB2_1:
0xf: {  	[spmem:s11], [sflag:s6] =	dma.local [hbm:s5], $0x2800  }
0x10: {  	_ =	swait.ge [sflag:s12], $0x2800  }
0x11: {  	[sflag:s12] =	ssyncset.done $0x0  }
0x12: {  	[sflag:s12] =	ssyncadd.s32 $0xFFFFD800  }
0x13: {  	[tilespmem:s3], [sflag:$0x2] =	stream.linear.gather [hbm4b:s7+s3], $0x2780, $0x38;
	[tilespmem:$0x1D000] =	vst v63  }
0x14: {  	_ =	swait.ge [sflag:s12], $0x2780  }
0x15: {  	[sflag:s12] =	ssyncset.done $0x0  }
0x16: {  	[sflag:s12] =	ssyncadd.s32 $0xFFFFD880  }
0x17: {  	[tilespmem:s13], [sflag:$0x2] =	stream.linear.gather [hbm4b:s8+s3], $0x2780, $0x38;
	[tilespmem:$0x1D000] =	vst v63  }
0x18: {  	_ =	swait.ge [sflag:s12], $0x2780  }
0x19: {  	[sflag:s12] =	ssyncset.done $0x0  }
0x1a: {  	[sflag:s12] =	ssyncadd.s32 $0xFFFFD880  }
0x1b: {  	s18 =	simm.s32 $0x0;
	[bflag:$0x0] =	sbarrier.arrive $0xFFFF  }
0x1c: {  	[tilespmem:s15], [sflag:$0x1] =	stream.indirect.gather [hbm4b:s4+s14], $0x80, s18, s14, $0xb8;
	[tilespmem:$0x1D000] =	vst v63  }
0x1d: {  	_ =	swait.ge [sflag:s16], $0x4000  }
0x1e: {  	[sflag:s16] =	ssyncset.done $0x0  }
0x1f: {  	s31 =	simm.s32 $0x2800;
	[sflag:s16] =	ssyncadd.s32 $0xFFFFC000  }
0x20: {  	[spmem:s2] =	stream.indirect.scatter.add.f32 [tilespmem:s15], [sflag:$0x2], $0x80, s31, s14, $0xb8;
	[tilespmem:$0x1D000] =	vst v63  }
0x21: {  	_ =	swait.ge [sflag:s12], $0x4000  }
0x22: {  	s19 =	simm.s32 $0x400;
	s18 =	simm.s32 $0x200;
	[sflag:s12] =	ssyncset.done $0x0  }
.LBB2_2:
0x23: {  	s20 =	sshra.s32 s18, $0x2  }
0x24: {  	[sflag:s12] =	ssyncadd.s32 $0xFFFFC000;
	s18 =	smov.u32 s19;
	s21 =	sadd.s32 $0x200, s19  }
0x25: {  	[tilespmem:s15], [sflag:$0x1] =	stream.indirect.gather [hbm4b:s4+s14], $0x80, s20, s14, $0xb8;
	[tilespmem:$0x1D000] =	vst v63  }
0x26: {  	p0 =	sne.s32 s19, $0x9C00;
	_ =	swait.ge [sflag:s16], $0x4000  }
.Ltmp0:
0x27: {  	[sflag:s16] =	ssyncset.done $0x0;
	(pc) =	sbr.rel @p0 .LBB2_2-.Ltmp0, $4  }
0x28: {  	s19 =	sadd.s32 $0x2800, s20;
	[sflag:s16] =	ssyncadd.s32 $0xFFFFC000  }
0x29: {  	[spmem:s2] =	stream.indirect.scatter.add.f32 [tilespmem:s15], [sflag:$0x2], $0x80, s19, s14, $0xb8;
	[tilespmem:$0x1D000] =	vst v63  }
0x2a: {  	_ =	swait.ge [sflag:s12], $0x4000  }
0x2b: {  	s19 =	smov.u32 s21;
	[sflag:s12] =	ssyncset.done $0x0  }
0x2c: {  	s18 =	sshra.s32 s18, $0x2;
	[sflag:s12] =	ssyncadd.s32 $0xFFFFC000  }
0x2d: {  	[tilespmem:s15], [sflag:$0x1] =	stream.indirect.gather [hbm4b:s4+s14], $0x80, s18, s14, $0xb8;
	[tilespmem:$0x1D000] =	vst v63  }
0x2e: {  	_ =	swait.ge [sflag:s16], $0x4000  }
0x2f: {  	[sflag:s16] =	ssyncset.done $0x0  }
0x30: {  	s18 =	sadd.s32 $0x2800, s18;
	[sflag:s16] =	ssyncadd.s32 $0xFFFFC000  }
0x31: {  	[spmem:s2] =	stream.indirect.scatter.add.f32 [tilespmem:s15], [sflag:$0x2], $0x80, s18, s14, $0xb8;
	[tilespmem:$0x1D000] =	vst v63  }
0x32: {  	_ =	swait.ge [sflag:s12], $0x4000  }
0x33: {  	s17 =	sadd.s32 $0x1, s17;
	[sflag:s12] =	ssyncset.done $0x0  }
0x34: {  	p0 =	sne.s32 s17, s10;
	[sflag:s12] =	ssyncadd.s32 $0xFFFFC000  }
.Ltmp1:
0x35: {  	[bflag:$0x0] =	sbarrier.arrive $0xFFFF;
	(pc) =	sbr.rel @p0 .LBB2_1-.Ltmp1, $4  }
0x36: {  	[hbm:s9], [sflag:s6] =	dma.local [spmem:s11], $0x2800  }
0x37: {  	_ =	swait.ge [sflag:s12], $0x2800  }
0x38: {  	[sflag:s12] =	ssyncset.done $0x0  }
0x39: {  	[sflag:s12] =	ssyncadd.s32 $0xFFFFD800  }
0x3a: {  	_ =	sfence.sel $0x180000  }
0x3b: {  	[bflag:$0x0] =	sbarrier.arrive $0xFFFF  }
0x3c: {  	p0 =	sne.s32 s0, $0x0;
	_ =	strace $0x90000050  }
0x3d: {  	s0 =	sadd.s32 @!p0 $0x100000, s1;
	[bflag:$0x2] =	sbarrier.arrive $0xFFFF  }
0x3e: {  	[sflag:s0] =	ssyncadd.tile.s32 @!p0 $0x1;
	_ =	shalt  }
.Lfunc_end2:
_tile_overlayer_lowered:
.L_overlay_start_2:
0x3f: {  	(tag) =	ssettag $0x2  }
0x40: {  	s0 =	rddreg [dreg:$0x0];
	s2 =	stileid.u32  }
0x41: {  	s1 =	rddreg [dreg:$0x1];
	p0 =	sne.s32 s2, $0x0  }
0x42: {  	s3 =	rddreg [dreg:$0x2];
	[bflag:$0x3] =	sbarrier.arrive $0xFFFF;
	s2 =	simm.s32 @!p0 $0x1C02  }
0x43: {  	[timem:s3], [sflag:s2] =	dma.local @!p0 [hbm:s0], s1  }
0x44: {  	s0 =	simm.s32 @!p0 $0x2  }
0x45: {  	_ =	swait.ge @!p0 [sflag:s0], s1  }
0x46: {  	s1 =	ssub.s32 @!p0 $0x0, s1;
	[sflag:s0] =	ssyncset.done @!p0 $0x0  }
0x47: {  	[sflag:s0] =	ssyncadd.s32 @!p0 s1  }
0x48: {  	[bflag:$0x3] =	sbarrier.arrive $0xFFFF  }
0x49: {  	_ =	shalt  }

</sc_bundles>
